<compile_context>
chip_gen: v7x
topology: tpu7x:2x2x1
jax: 0.10.2.dev20260603
libtpu: 0.0.44.dev20260713+nightly
codegen_flags: <defaults>
</compile_context>

<pallas_src>
import functools
import math

import jax
import jax.numpy as jnp
from jax import lax
from jax.experimental import pallas as pl
from jax.experimental.pallas import tpu as pltpu
from jax.experimental.pallas import tpu_sc as plsc

_B, _T, _D = 2, 8192, 768
_H = 12
_HD = _D // _H
_BUCKET = 64
_NBUCKETS = _T // _BUCKET
_CHUNK = 2 * _BUCKET
_NCHUNKS = _T // _CHUNK
_SEED = 1234

_ROWBLK = 512
_GIN_CH = 128


def _rope_tables():
    inv_freq = 1.0 / (10000.0 ** (jnp.arange(0, _HD, 2, dtype=jnp.float32) / _HD))
    t = jnp.arange(_T, dtype=jnp.float32)
    freqs = jnp.einsum('i,j->ij', t, inv_freq)
    emb = jnp.concatenate([freqs, freqs], axis=-1)
    return jnp.cos(emb), jnp.sin(emb)


def _qkv_rope_hash_body(x_ref, w_ref, b_ref, cos_ref, sin_ref, hw_ref,
                        out_ref, bidx_ref):
    acc = jnp.dot(x_ref[...], w_ref[...],
                  preferred_element_type=jnp.float32) + b_ref[...]
    cos = cos_ref[...]
    sin = sin_ref[...]
    ones = jnp.ones_like(cos)
    zeros = jnp.zeros_like(sin)
    cos_f = jnp.concatenate([cos, cos, ones] * _H, axis=1)
    sin_f = jnp.concatenate([sin, sin, zeros] * _H, axis=1)
    r_left = jnp.roll(acc, -1, axis=1)
    r_right = jnp.roll(acc, 1, axis=1)
    lane = lax.broadcasted_iota(jnp.int32, acc.shape, 1)
    rot = jnp.where(lane % 2 == 0, -r_left, r_right)
    roped = acc * cos_f + rot * sin_f
    pad = jnp.zeros((acc.shape[0], _HD), jnp.float32)
    pieces = []
    for h in range(_H):
        pieces.append(roped[:, h * 192:(h + 1) * 192])
        pieces.append(pad)
    out_ref[...] = jnp.concatenate(pieces, axis=1)
    r0 = hw_ref[...]
    cols = []
    for h in range(_H):
        ph = jnp.dot(roped[:, h * 192:h * 192 + _HD], r0,
                     preferred_element_type=jnp.float32)
        full = jnp.concatenate([ph, -ph], axis=1)
        cols.append(jnp.argmax(full, axis=1, keepdims=True).astype(jnp.int32))
    bidx_ref[...] = jnp.concatenate(cols, axis=1)


def _qkv_rope_hash(x2, w_perm, b_perm, cos, sin, hash_w):
    n_rows = x2.shape[0]
    grid = (n_rows // _ROWBLK,)
    return pl.pallas_call(
        _qkv_rope_hash_body,
        grid=grid,
        in_specs=[
            pl.BlockSpec((_ROWBLK, _D), lambda i: (i, 0)),
            pl.BlockSpec((_D, 3 * _D), lambda i: (0, 0)),
            pl.BlockSpec((1, 3 * _D), lambda i: (0, 0)),
            pl.BlockSpec((_ROWBLK, _HD), lambda i: (i % (_T // _ROWBLK), 0)),
            pl.BlockSpec((_ROWBLK, _HD), lambda i: (i % (_T // _ROWBLK), 0)),
            pl.BlockSpec((_HD, _HD), lambda i: (0, 0)),
        ],
        out_specs=[
            pl.BlockSpec((_ROWBLK, _H * 256), lambda i: (i, 0)),
            pl.BlockSpec((_ROWBLK, _H), lambda i: (i, 0)),
        ],
        out_shape=[
            jax.ShapeDtypeStruct((n_rows, _H * 256), jnp.float32),
            jax.ShapeDtypeStruct((n_rows, _H), jnp.int32),
        ],
    )(x2, w_perm, b_perm, cos, sin, hash_w)


_LPC = 128
_NTC = _T // _LPC


def _count_sort_body(b_ref, tu128_ref, tu64_ref, tl128_ref, dest_ref):
    br = b_ref[0]
    bins = lax.broadcasted_iota(jnp.int32, (_NBUCKETS, _NTC, _LPC), 0)
    m3 = (br[None, :, :] == bins).astype(jnp.float32)
    r3 = lax.dot_general(m3, tu128_ref[...], (((2,), (0,)), ((), ())),
                         preferred_element_type=jnp.float32)
    g = jnp.sum(m3, axis=2)
    e = jnp.dot(g, tu64_ref[...],
                preferred_element_type=jnp.float32)
    cnt = jnp.sum(g, axis=1, keepdims=True)
    bo = jnp.dot(tl128_ref[...], cnt,
                 preferred_element_type=jnp.float32)
    dest3 = m3 * (r3 + e[:, :, None] + bo[:, :, None])
    dest_ref[0] = jnp.sum(dest3, axis=0).astype(jnp.int32)


def _count_sort(bidx3d):
    i128 = jnp.arange(_NBUCKETS)
    tu128 = (i128[:, None] < i128[None, :]).astype(jnp.float32)
    i64 = jnp.arange(_NTC)
    tu64 = (i64[:, None] < i64[None, :]).astype(jnp.float32)
    tl128 = (i128[None, :] < i128[:, None]).astype(jnp.float32)
    n_rows = bidx3d.shape[0]
    return pl.pallas_call(
        _count_sort_body,
        grid=(n_rows,),
        in_specs=[
            pl.BlockSpec((1, _NTC, _LPC), lambda i: (i, 0, 0)),
            pl.BlockSpec((_NBUCKETS, _LPC), lambda i: (0, 0)),
            pl.BlockSpec((_NTC, _NTC), lambda i: (0, 0)),
            pl.BlockSpec((_NBUCKETS, _NBUCKETS), lambda i: (0, 0)),
        ],
        out_specs=pl.BlockSpec((1, _NTC, _LPC), lambda i: (i, 0, 0)),
        out_shape=jax.ShapeDtypeStruct((n_rows, _NTC, _LPC), jnp.int32),
    )(bidx3d, tu128, tu64, tl128)


_ATTN_BATCH = 32


def _chunk_attn_body(s_ref, o_ref):
    s = s_ref[...]
    q = s[:, :, :_HD]
    k = s[:, :, _HD:2 * _HD]
    v = s[:, :, 2 * _HD:3 * _HD]
    a = lax.dot_general(q, k, (((2,), (2,)), ((0,), (0,))),
                        preferred_element_type=jnp.float32)
    a = a * (1.0 / math.sqrt(_HD))
    m = jnp.max(a, axis=-1, keepdims=True)
    e = jnp.exp(a - m)
    a = e / jnp.sum(e, axis=-1, keepdims=True)
    o = lax.dot_general(a, v, (((2,), (1,)), ((0,), (0,))),
                        preferred_element_type=jnp.float32)
    o_ref[...] = jnp.concatenate(
        [o, jnp.zeros(o.shape, jnp.float32)], axis=2)


def _chunk_attn(sorted_rows):
    n_blk = sorted_rows.shape[0]
    ab = _ATTN_BATCH
    return pl.pallas_call(
        _chunk_attn_body,
        grid=(n_blk // ab,),
        in_specs=[pl.BlockSpec((ab, _CHUNK, 4 * _HD), lambda i: (i, 0, 0))],
        out_specs=pl.BlockSpec((ab, _CHUNK, 2 * _HD), lambda i: (i, 0, 0)),
        out_shape=jax.ShapeDtypeStruct((n_blk, _CHUNK, 2 * _HD), jnp.float32),
    )(sorted_rows)


def _proj_body(x_ref, w_ref, b_ref, o_ref):
    o_ref[...] = jnp.dot(x_ref[...], w_ref[...],
                         preferred_element_type=jnp.float32) + b_ref[...]


def _proj(y, w, b2):
    n_rows = y.shape[0]
    d_in = y.shape[1]
    return pl.pallas_call(
        _proj_body,
        grid=(n_rows // _ROWBLK,),
        in_specs=[
            pl.BlockSpec((_ROWBLK, d_in), lambda i: (i, 0)),
            pl.BlockSpec((d_in, _D), lambda i: (0, 0)),
            pl.BlockSpec((1, _D), lambda i: (0, 0)),
        ],
        out_specs=pl.BlockSpec((_ROWBLK, _D), lambda i: (i, 0)),
        out_shape=jax.ShapeDtypeStruct((n_rows, _D), jnp.float32),
    )(y, w, b2)


def _shuffle_rows(table, idx, width, scatter):
    n_rows = idx.shape[0]
    info = plsc.get_sparse_core_info()
    nc, ns = info.num_cores, info.num_subcores
    nw = nc * ns
    rows_per_w = n_rows // nw
    n_chunk = rows_per_w // _GIN_CH
    idx3 = idx.reshape(nw, n_chunk, _GIN_CH)
    mesh = plsc.VectorSubcoreMesh(core_axis_name="c", subcore_axis_name="s")

    @functools.partial(
        pl.kernel, mesh=mesh,
        out_type=jax.ShapeDtypeStruct((n_rows, width), jnp.float32),
        scratch_types=[
            pltpu.VMEM((n_chunk, _GIN_CH), jnp.int32),
            pltpu.VMEM((_GIN_CH, width), jnp.float32),
            pltpu.VMEM((_GIN_CH, width), jnp.float32),
            pltpu.SemaphoreType.DMA,
            pltpu.SemaphoreType.DMA,
            pltpu.SemaphoreType.DMA,
            pltpu.SemaphoreType.DMA,
        ],
    )
    def k(table_hbm, idx_hbm, out_hbm, idx_v, buf0, buf1,
          r0, r1, w0, w1):
        wid = lax.axis_index("s") * nc + lax.axis_index("c")
        base = wid * rows_per_w
        pltpu.sync_copy(idx_hbm.at[wid], idx_v)

        def legs(j, buf, rsem, wsem):
            if scatter:
                rd = pltpu.async_copy(table_hbm.at[pl.ds(base + j * _GIN_CH,
                                                         _GIN_CH)], buf, rsem)
                return rd, lambda: pltpu.async_copy(
                    buf, out_hbm.at[idx_v.at[j]], wsem)
            rd = pltpu.async_copy(table_hbm.at[idx_v.at[j]], buf, rsem)
            return rd, lambda: pltpu.async_copy(
                buf, out_hbm.at[pl.ds(base + j * _GIN_CH, _GIN_CH)], wsem)

        def body(jj, carry):
            j0 = jj * 2
            j1 = j0 + 1
            rd0, wr0 = legs(j0, buf0, r0, w0)
            rd1, wr1 = legs(j1, buf1, r1, w1)
            rd0.wait()
            h0 = wr0()
            rd1.wait()
            h1 = wr1()
            h0.wait()
            h1.wait()
            return carry

        lax.fori_loop(0, n_chunk // 2, body, 0)

    return k(table, idx3)


def _gather_rows(table, idx, width):
    return _shuffle_rows(table, idx, width, scatter=False)


def _scatter_rows(table, idx, width):
    return _shuffle_rows(table, idx, width, scatter=True)


def kernel(x, Wqkv, bqkv, Wproj, bproj):
    w_perm = Wqkv.reshape(_D, 3, _H, _HD).transpose(0, 2, 1, 3).reshape(
        _D, 3 * _D)
    b_perm = bqkv.reshape(3, _H, _HD).transpose(1, 0, 2).reshape(1, 3 * _D)

    cos, sin = _rope_tables()
    R = jax.random.normal(jax.random.key(_SEED), (_HD, 2, _NBUCKETS // 2),
                          dtype=x.dtype)
    r0 = R[:, 0, :]

    w2 = jnp.pad(Wproj.reshape(_H, _HD, _D), ((0, 0), (0, _HD), (0, 0)))
    w2 = w2.reshape(2 * _D, _D)
    b2 = bproj.reshape(1, _D)

    outs = []
    for b in range(_B):
        x2 = x[b].reshape(_T, _D)

        qkv_rows, bidx = _qkv_rope_hash(x2, w_perm, b_perm, cos, sin, r0)
        table = qkv_rows.reshape(_T * _H, 4 * _HD)

        bidx3d = bidx.reshape(_T, _H).transpose(1, 0).reshape(
            _H, _NTC, _LPC)
        dest = _count_sort(bidx3d).reshape(_H, _T)
        src = jnp.arange(_H, dtype=jnp.int32)[:, None] * _T + dest
        gidx = src.transpose(1, 0).reshape(-1)

        sorted_rows = _scatter_rows(table, gidx, 4 * _HD)
        sorted_blk = sorted_rows.reshape(_H * _NCHUNKS, _CHUNK, 4 * _HD)

        out_local = _chunk_attn(sorted_blk).reshape(_H * _T, 2 * _HD)

        out_rows = _gather_rows(out_local, gidx, 2 * _HD)
        y = out_rows.reshape(_T, 2 * _D)

        outs.append(_proj(y, w2, b2))

    return jnp.stack(outs, axis=0)

# --- scband reference (transcript-rebuilt; emitter-appended) ---
"""Pipeline reference for scband-rewa-hierarchical-attention-90237262889103 (READ-ONLY COPY).

The authoritative reference and input builder live on the scoring server;
editing this copy changes nothing except your own understanding.
"""

import math
import jax, jax.numpy as jnp
import numpy as np

B, T, D = 2, 8192, 768
N_HEAD = 12
HEAD_DIM = D // N_HEAD
BUCKET_SIZE = 64
N_HASHES = 2
SEED = 1234


def _rope(x):
    T_ = x.shape[2]
    dim = x.shape[-1]
    inv_freq = 1.0 / (10000.0 ** (jnp.arange(0, dim, 2, dtype=jnp.float32) / dim))
    t = jnp.arange(T_, dtype=jnp.float32)
    freqs = jnp.einsum('i,j->ij', t, inv_freq)
    emb = jnp.concatenate([freqs, freqs], axis=-1)
    cos = jnp.cos(emb)[None, None, :, :]
    sin = jnp.sin(emb)[None, None, :, :]
    x1 = x[..., ::2]
    x2 = x[..., 1::2]
    rotated = jnp.stack([-x2, x1], axis=-1).reshape(x.shape)
    return x * cos + rotated * sin


def _forward(x, Wqkv, bqkv, Wproj, bproj):
    Bb, Tt, Dd = x.shape
    H = N_HEAD
    hd = Dd // H
    qkv = x @ Wqkv + bqkv
    q, k, v = jnp.split(qkv, 3, axis=-1)

    def rh(t):
        return t.reshape(Bb, Tt, H, hd).transpose(0, 2, 1, 3)

    q = rh(q); k = rh(k); v = rh(v)
    q = _rope(q)
    k = _rope(k)
    qh = q.reshape(Bb * H, Tt, hd)
    kh = k.reshape(Bb * H, Tt, hd)
    vh = v.reshape(Bb * H, Tt, hd)
    n_buckets = max(1, Tt // BUCKET_SIZE)
    R = jax.random.normal(jax.random.key(SEED), (hd, N_HASHES, n_buckets // 2), dtype=x.dtype)
    proj = jnp.einsum('bnd,dhm->bnhm', qh, R)
    proj = jnp.concatenate([proj, -proj], axis=-1)
    buckets = jnp.argmax(proj, axis=-1)
    b_idx = buckets[..., 0]
    sorted_idx = jnp.argsort(b_idx, axis=-1)
    unsort_idx = jnp.argsort(sorted_idx, axis=-1)

    def gat(t, idx):
        return jnp.take_along_axis(t, jnp.broadcast_to(idx[:, :, None], t.shape), axis=1)

    q_sort = gat(qh, sorted_idx)
    k_sort = gat(kh, sorted_idx)
    v_sort = gat(vh, sorted_idx)
    chunk = BUCKET_SIZE * 2
    n_chunks = (Tt + chunk - 1) // chunk
    pad_len = n_chunks * chunk - Tt
    if pad_len > 0:
        pw = ((0, 0), (0, pad_len), (0, 0))
        q_sort = jnp.pad(q_sort, pw)
        k_sort = jnp.pad(k_sort, pw)
        v_sort = jnp.pad(v_sort, pw)
    qc = q_sort.reshape(Bb * H, n_chunks, chunk, hd)
    kc = k_sort.reshape(Bb * H, n_chunks, chunk, hd)
    vc = v_sort.reshape(Bb * H, n_chunks, chunk, hd)
    attn = jnp.einsum('bcid,bcjd->bcij', qc, kc) / math.sqrt(hd)
    attn = jax.nn.softmax(attn, axis=-1)
    out_local = jnp.einsum('bcij,bcjd->bcid', attn, vc)
    out_local = out_local.reshape(Bb * H, n_chunks * chunk, hd)[:, :Tt, :]
    out = gat(out_local, unsort_idx)
    out = out.reshape(Bb, H, Tt, hd).transpose(0, 2, 1, 3).reshape(Bb, Tt, Dd)
    return out @ Wproj + bproj


def setup_inputs(seed: int = 0):
    key = jax.random.key(seed)
    k0, k1, k2 = jax.random.split(key, 3)
    x = jax.random.normal(k0, (B, T, D), dtype=jnp.float32)
    Wqkv = jax.random.normal(k1, (D, 3 * D), dtype=jnp.float32) * 0.02
    bqkv = jnp.zeros((3 * D,), dtype=jnp.float32)
    Wproj = jax.random.normal(k2, (D, D), dtype=jnp.float32) * 0.02
    bproj = jnp.zeros((D,), dtype=jnp.float32)
    return {"x": x, "Wqkv": Wqkv, "bqkv": bqkv, "Wproj": Wproj, "bproj": bproj}


def reference(x, Wqkv, bqkv, Wproj, bproj):
    return _forward(x, Wqkv, bqkv, Wproj, bproj)

if __name__ == "__main__":
    import jax
    _d = setup_inputs()
    print(jax.jit(kernel)(*tuple(_d.values())))

</pallas_src>

<mosaic_0001>
#map = affine_map<(d0, d1) -> (0, 0)>
#map1 = affine_map<(d0, d1) -> (0, 0, 0)>
module attributes {stable_mosaic.version = 14 : i64} {
  func.func @k(%arg0: i32, %arg1: i32, %arg2: memref<98304x256xf32, #tpu.memory_space<hbm>>, %arg3: memref<32x24x128xi32, #tpu.memory_space<hbm>>, %arg4: memref<98304x256xf32, #tpu.memory_space<hbm>>, %arg5: memref<24x128xi32, #tpu.memory_space<vmem>>, %arg6: memref<128x256xf32, #tpu.memory_space<vmem>>, %arg7: memref<128x256xf32, #tpu.memory_space<vmem>>, %arg8: memref<!tpu.dma_semaphore, #tpu.memory_space<semaphore_mem>>, %arg9: memref<!tpu.dma_semaphore, #tpu.memory_space<semaphore_mem>>, %arg10: memref<!tpu.dma_semaphore, #tpu.memory_space<semaphore_mem>>, %arg11: memref<!tpu.dma_semaphore, #tpu.memory_space<semaphore_mem>>) attributes {dimension_semantics = [#tpu.dimension_semantics<core_parallel>, #tpu.dimension_semantics<subcore_parallel>], iteration_bounds = array<i64: 2, 16>, scalar_prefetch = 0 : i64, scratch_operands = 7 : i64, tpu.core_type = #tpu.core_type<sc_vector_subcore>, window_params = [{transform_indices = #map}, {transform_indices = #map1}, {transform_indices = #map}]} {
    %mul3A = arith.constant 2 : i32
    %mul3A_0 = arith.muli %arg1, %mul3A : i32
    %add3A = arith.addi %mul3A_0, %arg0 : i32
    %mul3A_1 = arith.constant 3072 : i32
    %mul3A_2 = arith.muli %add3A, %mul3A_1 : i32
    "tpu.region"() ({
      %run_scoped3A = tpu.sem_alloc : memref<!tpu.dma_semaphore, #tpu.memory_space<semaphore_mem>>
      %dma_start3A = arith.constant 0 : i32
      %dma_start3A_8 = arith.constant 0 : i32
      %dma_start3A_9 = tpu.memref_slice %arg3[%add3A, %dma_start3A, %dma_start3A_8] : memref<32x24x128xi32, #tpu.memory_space<hbm>> -> memref<1x24x128xi32, #tpu.memory_space<hbm>>
      %dma_start3A_10 = tpu.memref_squeeze %dma_start3A_9 : memref<1x24x128xi32, #tpu.memory_space<hbm>> -> memref<24x128xi32, #tpu.memory_space<hbm>>
      %dma_start3A_11 = arith.constant 0 : i32
      %dma_start3A_12 = arith.constant 0 : i32
      %dma_start3A_13 = tpu.memref_slice %arg3[%add3A, %dma_start3A_11, %dma_start3A_12] : memref<32x24x128xi32, #tpu.memory_space<hbm>> -> memref<1x24x128xi32, #tpu.memory_space<hbm>>
      %dma_start3A_14 = tpu.memref_squeeze %dma_start3A_13 : memref<1x24x128xi32, #tpu.memory_space<hbm>> -> memref<24x128xi32, #tpu.memory_space<hbm>>
      tpu.enqueue_dma source(%dma_start3A_14 : memref<24x128xi32, #tpu.memory_space<hbm>>) target(%arg5 : memref<24x128xi32, #tpu.memory_space<vmem>>) target_semaphore(%run_scoped3A : memref<!tpu.dma_semaphore, #tpu.memory_space<semaphore_mem>>)
      %dma_wait3A = arith.constant 0 : i32
      %dma_wait3A_15 = arith.constant 0 : i32
      %dma_wait3A_16 = tpu.memref_slice %arg3[%add3A, %dma_wait3A, %dma_wait3A_15] : memref<32x24x128xi32, #tpu.memory_space<hbm>> -> memref<1x24x128xi32, #tpu.memory_space<hbm>>
      %dma_wait3A_17 = tpu.memref_squeeze %dma_wait3A_16 : memref<1x24x128xi32, #tpu.memory_space<hbm>> -> memref<24x128xi32, #tpu.memory_space<hbm>>
      %dma_wait3A_18 = arith.constant 0 : i32
      %dma_wait3A_19 = arith.constant 0 : i32
      %dma_wait3A_20 = tpu.memref_slice %arg3[%add3A, %dma_wait3A_18, %dma_wait3A_19] : memref<32x24x128xi32, #tpu.memory_space<hbm>> -> memref<1x24x128xi32, #tpu.memory_space<hbm>>
      %dma_wait3A_21 = tpu.memref_squeeze %dma_wait3A_20 : memref<1x24x128xi32, #tpu.memory_space<hbm>> -> memref<24x128xi32, #tpu.memory_space<hbm>>
      tpu.wait_dma2 semaphore(%run_scoped3A : memref<!tpu.dma_semaphore, #tpu.memory_space<semaphore_mem>>) src(%dma_wait3A_21 : memref<24x128xi32, #tpu.memory_space<hbm>>) dst(%arg5 : memref<24x128xi32, #tpu.memory_space<vmem>>)
      tpu.yield
    }) : () -> ()
    %scan3A = arith.constant 0 : i32
    %scan3A_3 = arith.constant 0 : i32
    %scan3A_4 = arith.constant 12 : i32
    %scan3A_5 = arith.addi %scan3A_3, %scan3A_4 : i32
    %scan3A_6 = arith.constant 1 : i32
    scf.for %scan3A_8 = %scan3A_3 to %scan3A_5 step %scan3A_6  : i32 {
      %mul3A_9 = arith.constant 2 : i32
      %mul3A_10 = arith.muli %scan3A_8, %mul3A_9 : i32
      %add3A_11 = arith.constant 1 : i32
      %add3A_12 = arith.addi %mul3A_10, %add3A_11 : i32
      %mul3A_13 = arith.constant 128 : i32
      %mul3A_14 = arith.muli %mul3A_10, %mul3A_13 : i32
      %add3A_15 = arith.addi %mul3A_2, %mul3A_14 : i32
      %dma_start3A = arith.constant 0 : i32
      %dma_start3A_16 = tpu.memref_slice %arg2[%add3A_15, %dma_start3A] : memref<98304x256xf32, #tpu.memory_space<hbm>> -> memref<128x256xf32, #tpu.memory_space<hbm>>
      %dma_start3A_17 = arith.constant 0 : i32
      %dma_start3A_18 = tpu.memref_slice %arg2[%add3A_15, %dma_start3A_17] : memref<98304x256xf32, #tpu.memory_space<hbm>> -> memref<128x256xf32, #tpu.memory_space<hbm>>
      tpu.enqueue_dma source(%dma_start3A_18 : memref<128x256xf32, #tpu.memory_space<hbm>>) target(%arg6 : memref<128x256xf32, #tpu.memory_space<vmem>>) target_semaphore(%arg8 : memref<!tpu.dma_semaphore, #tpu.memory_space<semaphore_mem>>)
      %mul3A_19 = arith.constant 128 : i32
      %mul3A_20 = arith.muli %add3A_12, %mul3A_19 : i32
      %add3A_21 = arith.addi %mul3A_2, %mul3A_20 : i32
      %dma_start3A_22 = arith.constant 0 : i32
      %dma_start3A_23 = tpu.memref_slice %arg2[%add3A_21, %dma_start3A_22] : memref<98304x256xf32, #tpu.memory_space<hbm>> -> memref<128x256xf32, #tpu.memory_space<hbm>>
      %dma_start3A_24 = arith.constant 0 : i32
      %dma_start3A_25 = tpu.memref_slice %arg2[%add3A_21, %dma_start3A_24] : memref<98304x256xf32, #tpu.memory_space<hbm>> -> memref<128x256xf32, #tpu.memory_space<hbm>>
      tpu.enqueue_dma source(%dma_start3A_25 : memref<128x256xf32, #tpu.memory_space<hbm>>) target(%arg7 : memref<128x256xf32, #tpu.memory_space<vmem>>) target_semaphore(%arg9 : memref<!tpu.dma_semaphore, #tpu.memory_space<semaphore_mem>>)
      %dma_wait3A = arith.constant 0 : i32
      %dma_wait3A_26 = tpu.memref_slice %arg2[%add3A_15, %dma_wait3A] : memref<98304x256xf32, #tpu.memory_space<hbm>> -> memref<128x256xf32, #tpu.memory_space<hbm>>
      %dma_wait3A_27 = arith.constant 0 : i32
      %dma_wait3A_28 = tpu.memref_slice %arg2[%add3A_15, %dma_wait3A_27] : memref<98304x256xf32, #tpu.memory_space<hbm>> -> memref<128x256xf32, #tpu.memory_space<hbm>>
      tpu.wait_dma2 semaphore(%arg8 : memref<!tpu.dma_semaphore, #tpu.memory_space<semaphore_mem>>) src(%dma_wait3A_28 : memref<128x256xf32, #tpu.memory_space<hbm>>) dst(%arg6 : memref<128x256xf32, #tpu.memory_space<vmem>>)
      %dma_start3A_29 = arith.constant 0 : i32
      %dma_start3A_30 = tpu.memref_slice %arg5[%mul3A_10, %dma_start3A_29] : memref<24x128xi32, #tpu.memory_space<vmem>> -> memref<1x128xi32, #tpu.memory_space<vmem>>
      %dma_start3A_31 = tpu.memref_squeeze %dma_start3A_30 : memref<1x128xi32, #tpu.memory_space<vmem>> -> memref<128xi32, #tpu.memory_space<vmem>>
      %dma_start3A_32 = arith.constant 0 : i32
      %dma_start3A_33 = arith.constant 0 : i32
      %dma_start3A_34 = tpu.memref_slice %arg4[%dma_start3A_32, %dma_start3A_33] : memref<98304x256xf32, #tpu.memory_space<hbm>> -> memref<98304x256xf32, #tpu.memory_space<hbm>>
      tpu.enqueue_indirect_dma source(%arg6 : memref<128x256xf32, #tpu.memory_space<vmem>>) target(%dma_start3A_34 : memref<98304x256xf32, #tpu.memory_space<hbm>>) offsets(%dma_start3A_31 : memref<128xi32, #tpu.memory_space<vmem>>) semaphore(%arg10 : memref<!tpu.dma_semaphore, #tpu.memory_space<semaphore_mem>>)
      %dma_wait3A_35 = arith.constant 0 : i32
      %dma_wait3A_36 = tpu.memref_slice %arg2[%add3A_21, %dma_wait3A_35] : memref<98304x256xf32, #tpu.memory_space<hbm>> -> memref<128x256xf32, #tpu.memory_space<hbm>>
      %dma_wait3A_37 = arith.constant 0 : i32
      %dma_wait3A_38 = tpu.memref_slice %arg2[%add3A_21, %dma_wait3A_37] : memref<98304x256xf32, #tpu.memory_space<hbm>> -> memref<128x256xf32, #tpu.memory_space<hbm>>
      tpu.wait_dma2 semaphore(%arg9 : memref<!tpu.dma_semaphore, #tpu.memory_space<semaphore_mem>>) src(%dma_wait3A_38 : memref<128x256xf32, #tpu.memory_space<hbm>>) dst(%arg7 : memref<128x256xf32, #tpu.memory_space<vmem>>)
      %dma_start3A_39 = arith.constant 0 : i32
      %dma_start3A_40 = tpu.memref_slice %arg5[%add3A_12, %dma_start3A_39] : memref<24x128xi32, #tpu.memory_space<vmem>> -> memref<1x128xi32, #tpu.memory_space<vmem>>
      %dma_start3A_41 = tpu.memref_squeeze %dma_start3A_40 : memref<1x128xi32, #tpu.memory_space<vmem>> -> memref<128xi32, #tpu.memory_space<vmem>>
      %dma_start3A_42 = arith.constant 0 : i32
      %dma_start3A_43 = arith.constant 0 : i32
      %dma_start3A_44 = tpu.memref_slice %arg4[%dma_start3A_42, %dma_start3A_43] : memref<98304x256xf32, #tpu.memory_space<hbm>> -> memref<98304x256xf32, #tpu.memory_space<hbm>>
      tpu.enqueue_indirect_dma source(%arg7 : memref<128x256xf32, #tpu.memory_space<vmem>>) target(%dma_start3A_44 : memref<98304x256xf32, #tpu.memory_space<hbm>>) offsets(%dma_start3A_41 : memref<128xi32, #tpu.memory_space<vmem>>) semaphore(%arg11 : memref<!tpu.dma_semaphore, #tpu.memory_space<semaphore_mem>>)
      %dma_wait3A_45 = arith.constant 0 : i32
      %dma_wait3A_46 = tpu.memref_slice %arg5[%mul3A_10, %dma_wait3A_45] : memref<24x128xi32, #tpu.memory_space<vmem>> -> memref<1x128xi32, #tpu.memory_space<vmem>>
      %dma_wait3A_47 = tpu.memref_squeeze %dma_wait3A_46 : memref<1x128xi32, #tpu.memory_space<vmem>> -> memref<128xi32, #tpu.memory_space<vmem>>
      %dma_wait3A_48 = arith.constant 0 : i32
      %dma_wait3A_49 = arith.constant 0 : i32
      %dma_wait3A_50 = tpu.memref_slice %arg4[%dma_wait3A_48, %dma_wait3A_49] : memref<98304x256xf32, #tpu.memory_space<hbm>> -> memref<98304x256xf32, #tpu.memory_space<hbm>>
      tpu.wait_indirect_dma semaphore(%arg10 : memref<!tpu.dma_semaphore, #tpu.memory_space<semaphore_mem>>) src(%arg6 : memref<128x256xf32, #tpu.memory_space<vmem>>) dst(%dma_wait3A_50 : memref<98304x256xf32, #tpu.memory_space<hbm>>)
      %dma_wait3A_51 = arith.constant 0 : i32
      %dma_wait3A_52 = tpu.memref_slice %arg5[%add3A_12, %dma_wait3A_51] : memref<24x128xi32, #tpu.memory_space<vmem>> -> memref<1x128xi32, #tpu.memory_space<vmem>>
      %dma_wait3A_53 = tpu.memref_squeeze %dma_wait3A_52 : memref<1x128xi32, #tpu.memory_space<vmem>> -> memref<128xi32, #tpu.memory_space<vmem>>
      %dma_wait3A_54 = arith.constant 0 : i32
      %dma_wait3A_55 = arith.constant 0 : i32
      %dma_wait3A_56 = tpu.memref_slice %arg4[%dma_wait3A_54, %dma_wait3A_55] : memref<98304x256xf32, #tpu.memory_space<hbm>> -> memref<98304x256xf32, #tpu.memory_space<hbm>>
      tpu.wait_indirect_dma semaphore(%arg11 : memref<!tpu.dma_semaphore, #tpu.memory_space<semaphore_mem>>) src(%arg7 : memref<128x256xf32, #tpu.memory_space<vmem>>) dst(%dma_wait3A_56 : memref<98304x256xf32, #tpu.memory_space<hbm>>)
    }
    %scan3A_7 = arith.constant 12 : i32
    return
  }
}

#map = affine_map<(d0, d1) -> (0, 0)>
#map1 = affine_map<(d0, d1) -> (0, 0, 0)>
module attributes {stable_mosaic.version = 14 : i64} {
  func.func @k(%arg0: i32, %arg1: i32, %arg2: memref<98304x256xf32, #tpu.memory_space<hbm>>, %arg3: memref<32x24x128xi32, #tpu.memory_space<hbm>>, %arg4: memref<98304x256xf32, #tpu.memory_space<hbm>>, %arg5: memref<24x128xi32, #tpu.memory_space<vmem>>, %arg6: memref<128x256xf32, #tpu.memory_space<vmem>>, %arg7: memref<128x256xf32, #tpu.memory_space<vmem>>, %arg8: memref<!tpu.dma_semaphore, #tpu.memory_space<semaphore_mem>>, %arg9: memref<!tpu.dma_semaphore, #tpu.memory_space<semaphore_mem>>, %arg10: memref<!tpu.dma_semaphore, #tpu.memory_space<semaphore_mem>>, %arg11: memref<!tpu.dma_semaphore, #tpu.memory_space<semaphore_mem>>) attributes {dimension_semantics = [#tpu.dimension_semantics<core_parallel>, #tpu.dimension_semantics<subcore_parallel>], iteration_bounds = array<i64: 2, 16>, scalar_prefetch = 0 : i64, scratch_operands = 7 : i64, tpu.core_type = #tpu.core_type<sc_vector_subcore>, window_params = [{transform_indices = #map}, {transform_indices = #map1}, {transform_indices = #map}]} {
    %mul3A = arith.constant 2 : i32
    %mul3A_0 = arith.muli %arg1, %mul3A : i32
    %add3A = arith.addi %mul3A_0, %arg0 : i32
    %mul3A_1 = arith.constant 3072 : i32
    %mul3A_2 = arith.muli %add3A, %mul3A_1 : i32
    "tpu.region"() ({
      %run_scoped3A = tpu.sem_alloc : memref<!tpu.dma_semaphore, #tpu.memory_space<semaphore_mem>>
      %dma_start3A = arith.constant 0 : i32
      %dma_start3A_8 = arith.constant 0 : i32
      %dma_start3A_9 = tpu.memref_slice %arg3[%add3A, %dma_start3A, %dma_start3A_8] : memref<32x24x128xi32, #tpu.memory_space<hbm>> -> memref<1x24x128xi32, #tpu.memory_space<hbm>>
      %dma_start3A_10 = tpu.memref_squeeze %dma_start3A_9 : memref<1x24x128xi32, #tpu.memory_space<hbm>> -> memref<24x128xi32, #tpu.memory_space<hbm>>
      %dma_start3A_11 = arith.constant 0 : i32
      %dma_start3A_12 = arith.constant 0 : i32
      %dma_start3A_13 = tpu.memref_slice %arg3[%add3A, %dma_start3A_11, %dma_start3A_12] : memref<32x24x128xi32, #tpu.memory_space<hbm>> -> memref<1x24x128xi32, #tpu.memory_space<hbm>>
      %dma_start3A_14 = tpu.memref_squeeze %dma_start3A_13 : memref<1x24x128xi32, #tpu.memory_space<hbm>> -> memref<24x128xi32, #tpu.memory_space<hbm>>
      tpu.enqueue_dma source(%dma_start3A_14 : memref<24x128xi32, #tpu.memory_space<hbm>>) target(%arg5 : memref<24x128xi32, #tpu.memory_space<vmem>>) target_semaphore(%run_scoped3A : memref<!tpu.dma_semaphore, #tpu.memory_space<semaphore_mem>>)
      %dma_wait3A = arith.constant 0 : i32
      %dma_wait3A_15 = arith.constant 0 : i32
      %dma_wait3A_16 = tpu.memref_slice %arg3[%add3A, %dma_wait3A, %dma_wait3A_15] : memref<32x24x128xi32, #tpu.memory_space<hbm>> -> memref<1x24x128xi32, #tpu.memory_space<hbm>>
      %dma_wait3A_17 = tpu.memref_squeeze %dma_wait3A_16 : memref<1x24x128xi32, #tpu.memory_space<hbm>> -> memref<24x128xi32, #tpu.memory_space<hbm>>
      %dma_wait3A_18 = arith.constant 0 : i32
      %dma_wait3A_19 = arith.constant 0 : i32
      %dma_wait3A_20 = tpu.memref_slice %arg3[%add3A, %dma_wait3A_18, %dma_wait3A_19] : memref<32x24x128xi32, #tpu.memory_space<hbm>> -> memref<1x24x128xi32, #tpu.memory_space<hbm>>
      %dma_wait3A_21 = tpu.memref_squeeze %dma_wait3A_20 : memref<1x24x128xi32, #tpu.memory_space<hbm>> -> memref<24x128xi32, #tpu.memory_space<hbm>>
      tpu.wait_dma2 semaphore(%run_scoped3A : memref<!tpu.dma_semaphore, #tpu.memory_space<semaphore_mem>>) src(%dma_wait3A_21 : memref<24x128xi32, #tpu.memory_space<hbm>>) dst(%arg5 : memref<24x128xi32, #tpu.memory_space<vmem>>)
      tpu.yield
    }) : () -> ()
    %scan3A = arith.constant 0 : i32
    %scan3A_3 = arith.constant 0 : i32
    %scan3A_4 = arith.constant 12 : i32
    %scan3A_5 = arith.addi %scan3A_3, %scan3A_4 : i32
    %scan3A_6 = arith.constant 1 : i32
    scf.for %scan3A_8 = %scan3A_3 to %scan3A_5 step %scan3A_6  : i32 {
      %mul3A_9 = arith.constant 2 : i32
      %mul3A_10 = arith.muli %scan3A_8, %mul3A_9 : i32
      %add3A_11 = arith.constant 1 : i32
      %add3A_12 = arith.addi %mul3A_10, %add3A_11 : i32
      %mul3A_13 = arith.constant 128 : i32
      %mul3A_14 = arith.muli %mul3A_10, %mul3A_13 : i32
      %add3A_15 = arith.addi %mul3A_2, %mul3A_14 : i32
      %dma_start3A = arith.constant 0 : i32
      %dma_start3A_16 = tpu.memref_slice %arg2[%add3A_15, %dma_start3A] : memref<98304x256xf32, #tpu.memory_space<hbm>> -> memref<128x256xf32, #tpu.memory_space<hbm>>
      %dma_start3A_17 = arith.constant 0 : i32
      %dma_start3A_18 = tpu.memref_slice %arg2[%add3A_15, %dma_start3A_17] : memref<98304x256xf32, #tpu.memory_space<hbm>> -> memref<128x256xf32, #tpu.memory_space<hbm>>
      tpu.enqueue_dma source(%dma_start3A_18 : memref<128x256xf32, #tpu.memory_space<hbm>>) target(%arg6 : memref<128x256xf32, #tpu.memory_space<vmem>>) target_semaphore(%arg8 : memref<!tpu.dma_semaphore, #tpu.memory_space<semaphore_mem>>)
      %mul3A_19 = arith.constant 128 : i32
      %mul3A_20 = arith.muli %add3A_12, %mul3A_19 : i32
      %add3A_21 = arith.addi %mul3A_2, %mul3A_20 : i32
      %dma_start3A_22 = arith.constant 0 : i32
      %dma_start3A_23 = tpu.memref_slice %arg2[%add3A_21, %dma_start3A_22] : memref<98304x256xf32, #tpu.memory_space<hbm>> -> memref<128x256xf32, #tpu.memory_space<hbm>>
      %dma_start3A_24 = arith.constant 0 : i32
      %dma_start3A_25 = tpu.memref_slice %arg2[%add3A_21, %dma_start3A_24] : memref<98304x256xf32, #tpu.memory_space<hbm>> -> memref<128x256xf32, #tpu.memory_space<hbm>>
      tpu.enqueue_dma source(%dma_start3A_25 : memref<128x256xf32, #tpu.memory_space<hbm>>) target(%arg7 : memref<128x256xf32, #tpu.memory_space<vmem>>) target_semaphore(%arg9 : memref<!tpu.dma_semaphore, #tpu.memory_space<semaphore_mem>>)
      %dma_wait3A = arith.constant 0 : i32
      %dma_wait3A_26 = tpu.memref_slice %arg2[%add3A_15, %dma_wait3A] : memref<98304x256xf32, #tpu.memory_space<hbm>> -> memref<128x256xf32, #tpu.memory_space<hbm>>
      %dma_wait3A_27 = arith.constant 0 : i32
      %dma_wait3A_28 = tpu.memref_slice %arg2[%add3A_15, %dma_wait3A_27] : memref<98304x256xf32, #tpu.memory_space<hbm>> -> memref<128x256xf32, #tpu.memory_space<hbm>>
      tpu.wait_dma2 semaphore(%arg8 : memref<!tpu.dma_semaphore, #tpu.memory_space<semaphore_mem>>) src(%dma_wait3A_28 : memref<128x256xf32, #tpu.memory_space<hbm>>) dst(%arg6 : memref<128x256xf32, #tpu.memory_space<vmem>>)
      %dma_start3A_29 = arith.constant 0 : i32
      %dma_start3A_30 = tpu.memref_slice %arg5[%mul3A_10, %dma_start3A_29] : memref<24x128xi32, #tpu.memory_space<vmem>> -> memref<1x128xi32, #tpu.memory_space<vmem>>
      %dma_start3A_31 = tpu.memref_squeeze %dma_start3A_30 : memref<1x128xi32, #tpu.memory_space<vmem>> -> memref<128xi32, #tpu.memory_space<vmem>>
      %dma_start3A_32 = arith.constant 0 : i32
      %dma_start3A_33 = arith.constant 0 : i32
      %dma_start3A_34 = tpu.memref_slice %arg4[%dma_start3A_32, %dma_start3A_33] : memref<98304x256xf32, #tpu.memory_space<hbm>> -> memref<98304x256xf32, #tpu.memory_space<hbm>>
      tpu.enqueue_indirect_dma source(%arg6 : memref<128x256xf32, #tpu.memory_space<vmem>>) target(%dma_start3A_34 : memref<98304x256xf32, #tpu.memory_space<hbm>>) offsets(%dma_start3A_31 : memref<128xi32, #tpu.memory_space<vmem>>) semaphore(%arg10 : memref<!tpu.dma_semaphore, #tpu.memory_space<semaphore_mem>>)
      %dma_wait3A_35 = arith.constant 0 : i32
      %dma_wait3A_36 = tpu.memref_slice %arg2[%add3A_21, %dma_wait3A_35] : memref<98304x256xf32, #tpu.memory_space<hbm>> -> memref<128x256xf32, #tpu.memory_space<hbm>>
      %dma_wait3A_37 = arith.constant 0 : i32
      %dma_wait3A_38 = tpu.memref_slice %arg2[%add3A_21, %dma_wait3A_37] : memref<98304x256xf32, #tpu.memory_space<hbm>> -> memref<128x256xf32, #tpu.memory_space<hbm>>
      tpu.wait_dma2 semaphore(%arg9 : memref<!tpu.dma_semaphore, #tpu.memory_space<semaphore_mem>>) src(%dma_wait3A_38 : memref<128x256xf32, #tpu.memory_space<hbm>>) dst(%arg7 : memref<128x256xf32, #tpu.memory_space<vmem>>)
      %dma_start3A_39 = arith.constant 0 : i32
      %dma_start3A_40 = tpu.memref_slice %arg5[%add3A_12, %dma_start3A_39] : memref<24x128xi32, #tpu.memory_space<vmem>> -> memref<1x128xi32, #tpu.memory_space<vmem>>
      %dma_start3A_41 = tpu.memref_squeeze %dma_start3A_40 : memref<1x128xi32, #tpu.memory_space<vmem>> -> memref<128xi32, #tpu.memory_space<vmem>>
      %dma_start3A_42 = arith.constant 0 : i32
      %dma_start3A_43 = arith.constant 0 : i32
      %dma_start3A_44 = tpu.memref_slice %arg4[%dma_start3A_42, %dma_start3A_43] : memref<98304x256xf32, #tpu.memory_space<hbm>> -> memref<98304x256xf32, #tpu.memory_space<hbm>>
      tpu.enqueue_indirect_dma source(%arg7 : memref<128x256xf32, #tpu.memory_space<vmem>>) target(%dma_start3A_44 : memref<98304x256xf32, #tpu.memory_space<hbm>>) offsets(%dma_start3A_41 : memref<128xi32, #tpu.memory_space<vmem>>) semaphore(%arg11 : memref<!tpu.dma_semaphore, #tpu.memory_space<semaphore_mem>>)
      %dma_wait3A_45 = arith.constant 0 : i32
      %dma_wait3A_46 = tpu.memref_slice %arg5[%mul3A_10, %dma_wait3A_45] : memref<24x128xi32, #tpu.memory_space<vmem>> -> memref<1x128xi32, #tpu.memory_space<vmem>>
      %dma_wait3A_47 = tpu.memref_squeeze %dma_wait3A_46 : memref<1x128xi32, #tpu.memory_space<vmem>> -> memref<128xi32, #tpu.memory_space<vmem>>
      %dma_wait3A_48 = arith.constant 0 : i32
      %dma_wait3A_49 = arith.constant 0 : i32
      %dma_wait3A_50 = tpu.memref_slice %arg4[%dma_wait3A_48, %dma_wait3A_49] : memref<98304x256xf32, #tpu.memory_space<hbm>> -> memref<98304x256xf32, #tpu.memory_space<hbm>>
      tpu.wait_indirect_dma semaphore(%arg10 : memref<!tpu.dma_semaphore, #tpu.memory_space<semaphore_mem>>) src(%arg6 : memref<128x256xf32, #tpu.memory_space<vmem>>) dst(%dma_wait3A_50 : memref<98304x256xf32, #tpu.memory_space<hbm>>)
      %dma_wait3A_51 = arith.constant 0 : i32
      %dma_wait3A_52 = tpu.memref_slice %arg5[%add3A_12, %dma_wait3A_51] : memref<24x128xi32, #tpu.memory_space<vmem>> -> memref<1x128xi32, #tpu.memory_space<vmem>>
      %dma_wait3A_53 = tpu.memref_squeeze %dma_wait3A_52 : memref<1x128xi32, #tpu.memory_space<vmem>> -> memref<128xi32, #tpu.memory_space<vmem>>
      %dma_wait3A_54 = arith.constant 0 : i32
      %dma_wait3A_55 = arith.constant 0 : i32
      %dma_wait3A_56 = tpu.memref_slice %arg4[%dma_wait3A_54, %dma_wait3A_55] : memref<98304x256xf32, #tpu.memory_space<hbm>> -> memref<98304x256xf32, #tpu.memory_space<hbm>>
      tpu.wait_indirect_dma semaphore(%arg11 : memref<!tpu.dma_semaphore, #tpu.memory_space<semaphore_mem>>) src(%arg7 : memref<128x256xf32, #tpu.memory_space<vmem>>) dst(%dma_wait3A_56 : memref<98304x256xf32, #tpu.memory_space<hbm>>)
    }
    %scan3A_7 = arith.constant 12 : i32
    return
  }
}

#map = affine_map<(d0, d1) -> (0, 0)>
#map1 = affine_map<(d0, d1) -> (0, 0, 0)>
module attributes {stable_mosaic.version = 14 : i64} {
  func.func @k(%arg0: i32, %arg1: i32, %arg2: memref<98304x128xf32, #tpu.memory_space<hbm>>, %arg3: memref<32x24x128xi32, #tpu.memory_space<hbm>>, %arg4: memref<98304x128xf32, #tpu.memory_space<hbm>>, %arg5: memref<24x128xi32, #tpu.memory_space<vmem>>, %arg6: memref<128x128xf32, #tpu.memory_space<vmem>>, %arg7: memref<128x128xf32, #tpu.memory_space<vmem>>, %arg8: memref<!tpu.dma_semaphore, #tpu.memory_space<semaphore_mem>>, %arg9: memref<!tpu.dma_semaphore, #tpu.memory_space<semaphore_mem>>, %arg10: memref<!tpu.dma_semaphore, #tpu.memory_space<semaphore_mem>>, %arg11: memref<!tpu.dma_semaphore, #tpu.memory_space<semaphore_mem>>) attributes {dimension_semantics = [#tpu.dimension_semantics<core_parallel>, #tpu.dimension_semantics<subcore_parallel>], iteration_bounds = array<i64: 2, 16>, scalar_prefetch = 0 : i64, scratch_operands = 7 : i64, tpu.core_type = #tpu.core_type<sc_vector_subcore>, window_params = [{transform_indices = #map}, {transform_indices = #map1}, {transform_indices = #map}]} {
    %mul3A = arith.constant 2 : i32
    %mul3A_0 = arith.muli %arg1, %mul3A : i32
    %add3A = arith.addi %mul3A_0, %arg0 : i32
    %mul3A_1 = arith.constant 3072 : i32
    %mul3A_2 = arith.muli %add3A, %mul3A_1 : i32
    "tpu.region"() ({
      %run_scoped3A = tpu.sem_alloc : memref<!tpu.dma_semaphore, #tpu.memory_space<semaphore_mem>>
      %dma_start3A = arith.constant 0 : i32
      %dma_start3A_8 = arith.constant 0 : i32
      %dma_start3A_9 = tpu.memref_slice %arg3[%add3A, %dma_start3A, %dma_start3A_8] : memref<32x24x128xi32, #tpu.memory_space<hbm>> -> memref<1x24x128xi32, #tpu.memory_space<hbm>>
      %dma_start3A_10 = tpu.memref_squeeze %dma_start3A_9 : memref<1x24x128xi32, #tpu.memory_space<hbm>> -> memref<24x128xi32, #tpu.memory_space<hbm>>
      %dma_start3A_11 = arith.constant 0 : i32
      %dma_start3A_12 = arith.constant 0 : i32
      %dma_start3A_13 = tpu.memref_slice %arg3[%add3A, %dma_start3A_11, %dma_start3A_12] : memref<32x24x128xi32, #tpu.memory_space<hbm>> -> memref<1x24x128xi32, #tpu.memory_space<hbm>>
      %dma_start3A_14 = tpu.memref_squeeze %dma_start3A_13 : memref<1x24x128xi32, #tpu.memory_space<hbm>> -> memref<24x128xi32, #tpu.memory_space<hbm>>
      tpu.enqueue_dma source(%dma_start3A_14 : memref<24x128xi32, #tpu.memory_space<hbm>>) target(%arg5 : memref<24x128xi32, #tpu.memory_space<vmem>>) target_semaphore(%run_scoped3A : memref<!tpu.dma_semaphore, #tpu.memory_space<semaphore_mem>>)
      %dma_wait3A = arith.constant 0 : i32
      %dma_wait3A_15 = arith.constant 0 : i32
      %dma_wait3A_16 = tpu.memref_slice %arg3[%add3A, %dma_wait3A, %dma_wait3A_15] : memref<32x24x128xi32, #tpu.memory_space<hbm>> -> memref<1x24x128xi32, #tpu.memory_space<hbm>>
      %dma_wait3A_17 = tpu.memref_squeeze %dma_wait3A_16 : memref<1x24x128xi32, #tpu.memory_space<hbm>> -> memref<24x128xi32, #tpu.memory_space<hbm>>
      %dma_wait3A_18 = arith.constant 0 : i32
      %dma_wait3A_19 = arith.constant 0 : i32
      %dma_wait3A_20 = tpu.memref_slice %arg3[%add3A, %dma_wait3A_18, %dma_wait3A_19] : memref<32x24x128xi32, #tpu.memory_space<hbm>> -> memref<1x24x128xi32, #tpu.memory_space<hbm>>
      %dma_wait3A_21 = tpu.memref_squeeze %dma_wait3A_20 : memref<1x24x128xi32, #tpu.memory_space<hbm>> -> memref<24x128xi32, #tpu.memory_space<hbm>>
      tpu.wait_dma2 semaphore(%run_scoped3A : memref<!tpu.dma_semaphore, #tpu.memory_space<semaphore_mem>>) src(%dma_wait3A_21 : memref<24x128xi32, #tpu.memory_space<hbm>>) dst(%arg5 : memref<24x128xi32, #tpu.memory_space<vmem>>)
      tpu.yield
    }) : () -> ()
    %scan3A = arith.constant 0 : i32
    %scan3A_3 = arith.constant 0 : i32
    %scan3A_4 = arith.constant 12 : i32
    %scan3A_5 = arith.addi %scan3A_3, %scan3A_4 : i32
    %scan3A_6 = arith.constant 1 : i32
    scf.for %scan3A_8 = %scan3A_3 to %scan3A_5 step %scan3A_6  : i32 {
      %mul3A_9 = arith.constant 2 : i32
      %mul3A_10 = arith.muli %scan3A_8, %mul3A_9 : i32
      %add3A_11 = arith.constant 1 : i32
      %add3A_12 = arith.addi %mul3A_10, %add3A_11 : i32
      %dma_start3A = arith.constant 0 : i32
      %dma_start3A_13 = tpu.memref_slice %arg5[%mul3A_10, %dma_start3A] : memref<24x128xi32, #tpu.memory_space<vmem>> -> memref<1x128xi32, #tpu.memory_space<vmem>>
      %dma_start3A_14 = tpu.memref_squeeze %dma_start3A_13 : memref<1x128xi32, #tpu.memory_space<vmem>> -> memref<128xi32, #tpu.memory_space<vmem>>
      %dma_start3A_15 = arith.constant 0 : i32
      %dma_start3A_16 = arith.constant 0 : i32
      %dma_start3A_17 = tpu.memref_slice %arg2[%dma_start3A_15, %dma_start3A_16] : memref<98304x128xf32, #tpu.memory_space<hbm>> -> memref<98304x128xf32, #tpu.memory_space<hbm>>
      tpu.enqueue_indirect_dma source(%dma_start3A_17 : memref<98304x128xf32, #tpu.memory_space<hbm>>) target(%arg6 : memref<128x128xf32, #tpu.memory_space<vmem>>) offsets(%dma_start3A_14 : memref<128xi32, #tpu.memory_space<vmem>>) semaphore(%arg8 : memref<!tpu.dma_semaphore, #tpu.memory_space<semaphore_mem>>)
      %dma_start3A_18 = arith.constant 0 : i32
      %dma_start3A_19 = tpu.memref_slice %arg5[%add3A_12, %dma_start3A_18] : memref<24x128xi32, #tpu.memory_space<vmem>> -> memref<1x128xi32, #tpu.memory_space<vmem>>
      %dma_start3A_20 = tpu.memref_squeeze %dma_start3A_19 : memref<1x128xi32, #tpu.memory_space<vmem>> -> memref<128xi32, #tpu.memory_space<vmem>>
      %dma_start3A_21 = arith.constant 0 : i32
      %dma_start3A_22 = arith.constant 0 : i32
      %dma_start3A_23 = tpu.memref_slice %arg2[%dma_start3A_21, %dma_start3A_22] : memref<98304x128xf32, #tpu.memory_space<hbm>> -> memref<98304x128xf32, #tpu.memory_space<hbm>>
      tpu.enqueue_indirect_dma source(%dma_start3A_23 : memref<98304x128xf32, #tpu.memory_space<hbm>>) target(%arg7 : memref<128x128xf32, #tpu.memory_space<vmem>>) offsets(%dma_start3A_20 : memref<128xi32, #tpu.memory_space<vmem>>) semaphore(%arg9 : memref<!tpu.dma_semaphore, #tpu.memory_space<semaphore_mem>>)
      %dma_wait3A = arith.constant 0 : i32
      %dma_wait3A_24 = tpu.memref_slice %arg5[%mul3A_10, %dma_wait3A] : memref<24x128xi32, #tpu.memory_space<vmem>> -> memref<1x128xi32, #tpu.memory_space<vmem>>
      %dma_wait3A_25 = tpu.memref_squeeze %dma_wait3A_24 : memref<1x128xi32, #tpu.memory_space<vmem>> -> memref<128xi32, #tpu.memory_space<vmem>>
      %dma_wait3A_26 = arith.constant 0 : i32
      %dma_wait3A_27 = arith.constant 0 : i32
      %dma_wait3A_28 = tpu.memref_slice %arg2[%dma_wait3A_26, %dma_wait3A_27] : memref<98304x128xf32, #tpu.memory_space<hbm>> -> memref<98304x128xf32, #tpu.memory_space<hbm>>
      tpu.wait_indirect_dma semaphore(%arg8 : memref<!tpu.dma_semaphore, #tpu.memory_space<semaphore_mem>>) src(%dma_wait3A_28 : memref<98304x128xf32, #tpu.memory_space<hbm>>) dst(%arg6 : memref<128x128xf32, #tpu.memory_space<vmem>>)
      %mul3A_29 = arith.constant 128 : i32
      %mul3A_30 = arith.muli %mul3A_10, %mul3A_29 : i32
      %add3A_31 = arith.addi %mul3A_2, %mul3A_30 : i32
      %dma_start3A_32 = arith.constant 0 : i32
      %dma_start3A_33 = tpu.memref_slice %arg4[%add3A_31, %dma_start3A_32] : memref<98304x128xf32, #tpu.memory_space<hbm>> -> memref<128x128xf32, #tpu.memory_space<hbm>>
      %dma_start3A_34 = arith.constant 0 : i32
      %dma_start3A_35 = tpu.memref_slice %arg4[%add3A_31, %dma_start3A_34] : memref<98304x128xf32, #tpu.memory_space<hbm>> -> memref<128x128xf32, #tpu.memory_space<hbm>>
      tpu.enqueue_dma source(%arg6 : memref<128x128xf32, #tpu.memory_space<vmem>>) target(%dma_start3A_35 : memref<128x128xf32, #tpu.memory_space<hbm>>) target_semaphore(%arg10 : memref<!tpu.dma_semaphore, #tpu.memory_space<semaphore_mem>>)
      %dma_wait3A_36 = arith.constant 0 : i32
      %dma_wait3A_37 = tpu.memref_slice %arg5[%add3A_12, %dma_wait3A_36] : memref<24x128xi32, #tpu.memory_space<vmem>> -> memref<1x128xi32, #tpu.memory_space<vmem>>
      %dma_wait3A_38 = tpu.memref_squeeze %dma_wait3A_37 : memref<1x128xi32, #tpu.memory_space<vmem>> -> memref<128xi32, #tpu.memory_space<vmem>>
      %dma_wait3A_39 = arith.constant 0 : i32
      %dma_wait3A_40 = arith.constant 0 : i32
      %dma_wait3A_41 = tpu.memref_slice %arg2[%dma_wait3A_39, %dma_wait3A_40] : memref<98304x128xf32, #tpu.memory_space<hbm>> -> memref<98304x128xf32, #tpu.memory_space<hbm>>
      tpu.wait_indirect_dma semaphore(%arg9 : memref<!tpu.dma_semaphore, #tpu.memory_space<semaphore_mem>>) src(%dma_wait3A_41 : memref<98304x128xf32, #tpu.memory_space<hbm>>) dst(%arg7 : memref<128x128xf32, #tpu.memory_space<vmem>>)
      %mul3A_42 = arith.constant 128 : i32
      %mul3A_43 = arith.muli %add3A_12, %mul3A_42 : i32
      %add3A_44 = arith.addi %mul3A_2, %mul3A_43 : i32
      %dma_start3A_45 = arith.constant 0 : i32
      %dma_start3A_46 = tpu.memref_slice %arg4[%add3A_44, %dma_start3A_45] : memref<98304x128xf32, #tpu.memory_space<hbm>> -> memref<128x128xf32, #tpu.memory_space<hbm>>
      %dma_start3A_47 = arith.constant 0 : i32
      %dma_start3A_48 = tpu.memref_slice %arg4[%add3A_44, %dma_start3A_47] : memref<98304x128xf32, #tpu.memory_space<hbm>> -> memref<128x128xf32, #tpu.memory_space<hbm>>
      tpu.enqueue_dma source(%arg7 : memref<128x128xf32, #tpu.memory_space<vmem>>) target(%dma_start3A_48 : memref<128x128xf32, #tpu.memory_space<hbm>>) target_semaphore(%arg11 : memref<!tpu.dma_semaphore, #tpu.memory_space<semaphore_mem>>)
      %dma_wait3A_49 = arith.constant 0 : i32
      %dma_wait3A_50 = tpu.memref_slice %arg4[%add3A_31, %dma_wait3A_49] : memref<98304x128xf32, #tpu.memory_space<hbm>> -> memref<128x128xf32, #tpu.memory_space<hbm>>
      %dma_wait3A_51 = arith.constant 0 : i32
      %dma_wait3A_52 = tpu.memref_slice %arg4[%add3A_31, %dma_wait3A_51] : memref<98304x128xf32, #tpu.memory_space<hbm>> -> memref<128x128xf32, #tpu.memory_space<hbm>>
      tpu.wait_dma2 semaphore(%arg10 : memref<!tpu.dma_semaphore, #tpu.memory_space<semaphore_mem>>) src(%arg6 : memref<128x128xf32, #tpu.memory_space<vmem>>) dst(%dma_wait3A_52 : memref<128x128xf32, #tpu.memory_space<hbm>>)
      %dma_wait3A_53 = arith.constant 0 : i32
      %dma_wait3A_54 = tpu.memref_slice %arg4[%add3A_44, %dma_wait3A_53] : memref<98304x128xf32, #tpu.memory_space<hbm>> -> memref<128x128xf32, #tpu.memory_space<hbm>>
      %dma_wait3A_55 = arith.constant 0 : i32
      %dma_wait3A_56 = tpu.memref_slice %arg4[%add3A_44, %dma_wait3A_55] : memref<98304x128xf32, #tpu.memory_space<hbm>> -> memref<128x128xf32, #tpu.memory_space<hbm>>
      tpu.wait_dma2 semaphore(%arg11 : memref<!tpu.dma_semaphore, #tpu.memory_space<semaphore_mem>>) src(%arg7 : memref<128x128xf32, #tpu.memory_space<vmem>>) dst(%dma_wait3A_56 : memref<128x128xf32, #tpu.memory_space<hbm>>)
    }
    %scan3A_7 = arith.constant 12 : i32
    return
  }
}

#map = affine_map<(d0, d1) -> (0, 0)>
#map1 = affine_map<(d0, d1) -> (0, 0, 0)>
module attributes {stable_mosaic.version = 14 : i64} {
  func.func @k(%arg0: i32, %arg1: i32, %arg2: memref<98304x128xf32, #tpu.memory_space<hbm>>, %arg3: memref<32x24x128xi32, #tpu.memory_space<hbm>>, %arg4: memref<98304x128xf32, #tpu.memory_space<hbm>>, %arg5: memref<24x128xi32, #tpu.memory_space<vmem>>, %arg6: memref<128x128xf32, #tpu.memory_space<vmem>>, %arg7: memref<128x128xf32, #tpu.memory_space<vmem>>, %arg8: memref<!tpu.dma_semaphore, #tpu.memory_space<semaphore_mem>>, %arg9: memref<!tpu.dma_semaphore, #tpu.memory_space<semaphore_mem>>, %arg10: memref<!tpu.dma_semaphore, #tpu.memory_space<semaphore_mem>>, %arg11: memref<!tpu.dma_semaphore, #tpu.memory_space<semaphore_mem>>) attributes {dimension_semantics = [#tpu.dimension_semantics<core_parallel>, #tpu.dimension_semantics<subcore_parallel>], iteration_bounds = array<i64: 2, 16>, scalar_prefetch = 0 : i64, scratch_operands = 7 : i64, tpu.core_type = #tpu.core_type<sc_vector_subcore>, window_params = [{transform_indices = #map}, {transform_indices = #map1}, {transform_indices = #map}]} {
    %mul3A = arith.constant 2 : i32
    %mul3A_0 = arith.muli %arg1, %mul3A : i32
    %add3A = arith.addi %mul3A_0, %arg0 : i32
    %mul3A_1 = arith.constant 3072 : i32
    %mul3A_2 = arith.muli %add3A, %mul3A_1 : i32
    "tpu.region"() ({
      %run_scoped3A = tpu.sem_alloc : memref<!tpu.dma_semaphore, #tpu.memory_space<semaphore_mem>>
      %dma_start3A = arith.constant 0 : i32
      %dma_start3A_8 = arith.constant 0 : i32
      %dma_start3A_9 = tpu.memref_slice %arg3[%add3A, %dma_start3A, %dma_start3A_8] : memref<32x24x128xi32, #tpu.memory_space<hbm>> -> memref<1x24x128xi32, #tpu.memory_space<hbm>>
      %dma_start3A_10 = tpu.memref_squeeze %dma_start3A_9 : memref<1x24x128xi32, #tpu.memory_space<hbm>> -> memref<24x128xi32, #tpu.memory_space<hbm>>
      %dma_start3A_11 = arith.constant 0 : i32
      %dma_start3A_12 = arith.constant 0 : i32
      %dma_start3A_13 = tpu.memref_slice %arg3[%add3A, %dma_start3A_11, %dma_start3A_12] : memref<32x24x128xi32, #tpu.memory_space<hbm>> -> memref<1x24x128xi32, #tpu.memory_space<hbm>>
      %dma_start3A_14 = tpu.memref_squeeze %dma_start3A_13 : memref<1x24x128xi32, #tpu.memory_space<hbm>> -> memref<24x128xi32, #tpu.memory_space<hbm>>
      tpu.enqueue_dma source(%dma_start3A_14 : memref<24x128xi32, #tpu.memory_space<hbm>>) target(%arg5 : memref<24x128xi32, #tpu.memory_space<vmem>>) target_semaphore(%run_scoped3A : memref<!tpu.dma_semaphore, #tpu.memory_space<semaphore_mem>>)
      %dma_wait3A = arith.constant 0 : i32
      %dma_wait3A_15 = arith.constant 0 : i32
      %dma_wait3A_16 = tpu.memref_slice %arg3[%add3A, %dma_wait3A, %dma_wait3A_15] : memref<32x24x128xi32, #tpu.memory_space<hbm>> -> memref<1x24x128xi32, #tpu.memory_space<hbm>>
      %dma_wait3A_17 = tpu.memref_squeeze %dma_wait3A_16 : memref<1x24x128xi32, #tpu.memory_space<hbm>> -> memref<24x128xi32, #tpu.memory_space<hbm>>
      %dma_wait3A_18 = arith.constant 0 : i32
      %dma_wait3A_19 = arith.constant 0 : i32
      %dma_wait3A_20 = tpu.memref_slice %arg3[%add3A, %dma_wait3A_18, %dma_wait3A_19] : memref<32x24x128xi32, #tpu.memory_space<hbm>> -> memref<1x24x128xi32, #tpu.memory_space<hbm>>
      %dma_wait3A_21 = tpu.memref_squeeze %dma_wait3A_20 : memref<1x24x128xi32, #tpu.memory_space<hbm>> -> memref<24x128xi32, #tpu.memory_space<hbm>>
      tpu.wait_dma2 semaphore(%run_scoped3A : memref<!tpu.dma_semaphore, #tpu.memory_space<semaphore_mem>>) src(%dma_wait3A_21 : memref<24x128xi32, #tpu.memory_space<hbm>>) dst(%arg5 : memref<24x128xi32, #tpu.memory_space<vmem>>)
      tpu.yield
    }) : () -> ()
    %scan3A = arith.constant 0 : i32
    %scan3A_3 = arith.constant 0 : i32
    %scan3A_4 = arith.constant 12 : i32
    %scan3A_5 = arith.addi %scan3A_3, %scan3A_4 : i32
    %scan3A_6 = arith.constant 1 : i32
    scf.for %scan3A_8 = %scan3A_3 to %scan3A_5 step %scan3A_6  : i32 {
      %mul3A_9 = arith.constant 2 : i32
      %mul3A_10 = arith.muli %scan3A_8, %mul3A_9 : i32
      %add3A_11 = arith.constant 1 : i32
      %add3A_12 = arith.addi %mul3A_10, %add3A_11 : i32
      %dma_start3A = arith.constant 0 : i32
      %dma_start3A_13 = tpu.memref_slice %arg5[%mul3A_10, %dma_start3A] : memref<24x128xi32, #tpu.memory_space<vmem>> -> memref<1x128xi32, #tpu.memory_space<vmem>>
      %dma_start3A_14 = tpu.memref_squeeze %dma_start3A_13 : memref<1x128xi32, #tpu.memory_space<vmem>> -> memref<128xi32, #tpu.memory_space<vmem>>
      %dma_start3A_15 = arith.constant 0 : i32
      %dma_start3A_16 = arith.constant 0 : i32
      %dma_start3A_17 = tpu.memref_slice %arg2[%dma_start3A_15, %dma_start3A_16] : memref<98304x128xf32, #tpu.memory_space<hbm>> -> memref<98304x128xf32, #tpu.memory_space<hbm>>
      tpu.enqueue_indirect_dma source(%dma_start3A_17 : memref<98304x128xf32, #tpu.memory_space<hbm>>) target(%arg6 : memref<128x128xf32, #tpu.memory_space<vmem>>) offsets(%dma_start3A_14 : memref<128xi32, #tpu.memory_space<vmem>>) semaphore(%arg8 : memref<!tpu.dma_semaphore, #tpu.memory_space<semaphore_mem>>)
      %dma_start3A_18 = arith.constant 0 : i32
      %dma_start3A_19 = tpu.memref_slice %arg5[%add3A_12, %dma_start3A_18] : memref<24x128xi32, #tpu.memory_space<vmem>> -> memref<1x128xi32, #tpu.memory_space<vmem>>
      %dma_start3A_20 = tpu.memref_squeeze %dma_start3A_19 : memref<1x128xi32, #tpu.memory_space<vmem>> -> memref<128xi32, #tpu.memory_space<vmem>>
      %dma_start3A_21 = arith.constant 0 : i32
      %dma_start3A_22 = arith.constant 0 : i32
      %dma_start3A_23 = tpu.memref_slice %arg2[%dma_start3A_21, %dma_start3A_22] : memref<98304x128xf32, #tpu.memory_space<hbm>> -> memref<98304x128xf32, #tpu.memory_space<hbm>>
      tpu.enqueue_indirect_dma source(%dma_start3A_23 : memref<98304x128xf32, #tpu.memory_space<hbm>>) target(%arg7 : memref<128x128xf32, #tpu.memory_space<vmem>>) offsets(%dma_start3A_20 : memref<128xi32, #tpu.memory_space<vmem>>) semaphore(%arg9 : memref<!tpu.dma_semaphore, #tpu.memory_space<semaphore_mem>>)
      %dma_wait3A = arith.constant 0 : i32
      %dma_wait3A_24 = tpu.memref_slice %arg5[%mul3A_10, %dma_wait3A] : memref<24x128xi32, #tpu.memory_space<vmem>> -> memref<1x128xi32, #tpu.memory_space<vmem>>
      %dma_wait3A_25 = tpu.memref_squeeze %dma_wait3A_24 : memref<1x128xi32, #tpu.memory_space<vmem>> -> memref<128xi32, #tpu.memory_space<vmem>>
      %dma_wait3A_26 = arith.constant 0 : i32
      %dma_wait3A_27 = arith.constant 0 : i32
      %dma_wait3A_28 = tpu.memref_slice %arg2[%dma_wait3A_26, %dma_wait3A_27] : memref<98304x128xf32, #tpu.memory_space<hbm>> -> memref<98304x128xf32, #tpu.memory_space<hbm>>
      tpu.wait_indirect_dma semaphore(%arg8 : memref<!tpu.dma_semaphore, #tpu.memory_space<semaphore_mem>>) src(%dma_wait3A_28 : memref<98304x128xf32, #tpu.memory_space<hbm>>) dst(%arg6 : memref<128x128xf32, #tpu.memory_space<vmem>>)
      %mul3A_29 = arith.constant 128 : i32
      %mul3A_30 = arith.muli %mul3A_10, %mul3A_29 : i32
      %add3A_31 = arith.addi %mul3A_2, %mul3A_30 : i32
      %dma_start3A_32 = arith.constant 0 : i32
      %dma_start3A_33 = tpu.memref_slice %arg4[%add3A_31, %dma_start3A_32] : memref<98304x128xf32, #tpu.memory_space<hbm>> -> memref<128x128xf32, #tpu.memory_space<hbm>>
      %dma_start3A_34 = arith.constant 0 : i32
      %dma_start3A_35 = tpu.memref_slice %arg4[%add3A_31, %dma_start3A_34] : memref<98304x128xf32, #tpu.memory_space<hbm>> -> memref<128x128xf32, #tpu.memory_space<hbm>>
      tpu.enqueue_dma source(%arg6 : memref<128x128xf32, #tpu.memory_space<vmem>>) target(%dma_start3A_35 : memref<128x128xf32, #tpu.memory_space<hbm>>) target_semaphore(%arg10 : memref<!tpu.dma_semaphore, #tpu.memory_space<semaphore_mem>>)
      %dma_wait3A_36 = arith.constant 0 : i32
      %dma_wait3A_37 = tpu.memref_slice %arg5[%add3A_12, %dma_wait3A_36] : memref<24x128xi32, #tpu.memory_space<vmem>> -> memref<1x128xi32, #tpu.memory_space<vmem>>
      %dma_wait3A_38 = tpu.memref_squeeze %dma_wait3A_37 : memref<1x128xi32, #tpu.memory_space<vmem>> -> memref<128xi32, #tpu.memory_space<vmem>>
      %dma_wait3A_39 = arith.constant 0 : i32
      %dma_wait3A_40 = arith.constant 0 : i32
      %dma_wait3A_41 = tpu.memref_slice %arg2[%dma_wait3A_39, %dma_wait3A_40] : memref<98304x128xf32, #tpu.memory_space<hbm>> -> memref<98304x128xf32, #tpu.memory_space<hbm>>
      tpu.wait_indirect_dma semaphore(%arg9 : memref<!tpu.dma_semaphore, #tpu.memory_space<semaphore_mem>>) src(%dma_wait3A_41 : memref<98304x128xf32, #tpu.memory_space<hbm>>) dst(%arg7 : memref<128x128xf32, #tpu.memory_space<vmem>>)
      %mul3A_42 = arith.constant 128 : i32
      %mul3A_43 = arith.muli %add3A_12, %mul3A_42 : i32
      %add3A_44 = arith.addi %mul3A_2, %mul3A_43 : i32
      %dma_start3A_45 = arith.constant 0 : i32
      %dma_start3A_46 = tpu.memref_slice %arg4[%add3A_44, %dma_start3A_45] : memref<98304x128xf32, #tpu.memory_space<hbm>> -> memref<128x128xf32, #tpu.memory_space<hbm>>
      %dma_start3A_47 = arith.constant 0 : i32
      %dma_start3A_48 = tpu.memref_slice %arg4[%add3A_44, %dma_start3A_47] : memref<98304x128xf32, #tpu.memory_space<hbm>> -> memref<128x128xf32, #tpu.memory_space<hbm>>
      tpu.enqueue_dma source(%arg7 : memref<128x128xf32, #tpu.memory_space<vmem>>) target(%dma_start3A_48 : memref<128x128xf32, #tpu.memory_space<hbm>>) target_semaphore(%arg11 : memref<!tpu.dma_semaphore, #tpu.memory_space<semaphore_mem>>)
      %dma_wait3A_49 = arith.constant 0 : i32
      %dma_wait3A_50 = tpu.memref_slice %arg4[%add3A_31, %dma_wait3A_49] : memref<98304x128xf32, #tpu.memory_space<hbm>> -> memref<128x128xf32, #tpu.memory_space<hbm>>
      %dma_wait3A_51 = arith.constant 0 : i32
      %dma_wait3A_52 = tpu.memref_slice %arg4[%add3A_31, %dma_wait3A_51] : memref<98304x128xf32, #tpu.memory_space<hbm>> -> memref<128x128xf32, #tpu.memory_space<hbm>>
      tpu.wait_dma2 semaphore(%arg10 : memref<!tpu.dma_semaphore, #tpu.memory_space<semaphore_mem>>) src(%arg6 : memref<128x128xf32, #tpu.memory_space<vmem>>) dst(%dma_wait3A_52 : memref<128x128xf32, #tpu.memory_space<hbm>>)
      %dma_wait3A_53 = arith.constant 0 : i32
      %dma_wait3A_54 = tpu.memref_slice %arg4[%add3A_44, %dma_wait3A_53] : memref<98304x128xf32, #tpu.memory_space<hbm>> -> memref<128x128xf32, #tpu.memory_space<hbm>>
      %dma_wait3A_55 = arith.constant 0 : i32
      %dma_wait3A_56 = tpu.memref_slice %arg4[%add3A_44, %dma_wait3A_55] : memref<98304x128xf32, #tpu.memory_space<hbm>> -> memref<128x128xf32, #tpu.memory_space<hbm>>
      tpu.wait_dma2 semaphore(%arg11 : memref<!tpu.dma_semaphore, #tpu.memory_space<semaphore_mem>>) src(%arg7 : memref<128x128xf32, #tpu.memory_space<vmem>>) dst(%dma_wait3A_56 : memref<128x128xf32, #tpu.memory_space<hbm>>)
    }
    %scan3A_7 = arith.constant 12 : i32
    return
  }
}

module attributes {stable_mosaic.version = 14 : i64} {
  func.func @_qkv_rope_hash_body(%arg0: i32, %arg1: memref<512x768xf32, #tpu.memory_space<vmem>>, %arg2: memref<768x2304xf32, #tpu.memory_space<vmem>>, %arg3: memref<1x2304xf32, #tpu.memory_space<vmem>>, %arg4: memref<512x64xf32, #tpu.memory_space<vmem>>, %arg5: memref<512x64xf32, #tpu.memory_space<vmem>>, %arg6: memref<64x64xf32, #tpu.memory_space<vmem>>, %arg7: memref<512x3072xf32, #tpu.memory_space<vmem>>, %arg8: memref<512x12xi32, #tpu.memory_space<vmem>>) attributes {dimension_semantics = [#tpu.dimension_semantics<arbitrary>], iteration_bounds = array<i64: 16>, scalar_prefetch = 0 : i64, scratch_operands = 0 : i64, tpu.core_type = #tpu.core_type<tc>, window_params = [{transform_indices = @transform_0, window_bounds = array<i64: 512, 768>}, {pipeline_mode = #tpu.pipeline_mode<synchronous>, transform_indices = @transform_1, window_bounds = array<i64: 768, 2304>}, {pipeline_mode = #tpu.pipeline_mode<synchronous>, transform_indices = @transform_2, window_bounds = array<i64: 1, 2304>}, {transform_indices = @transform_3, window_bounds = array<i64: 512, 64>}, {transform_indices = @transform_4, window_bounds = array<i64: 512, 64>}, {pipeline_mode = #tpu.pipeline_mode<synchronous>, transform_indices = @transform_5, window_bounds = array<i64: 64, 64>}, {transform_indices = @transform_6, window_bounds = array<i64: 512, 3072>}, {transform_indices = @transform_7, window_bounds = array<i64: 512, 12>}]} {
    %get3A = arith.constant 0 : index
    %get3A_0 = arith.constant 0 : index
    %get3A_1 = vector.load %arg1[%get3A, %get3A_0] : memref<512x768xf32, #tpu.memory_space<vmem>>, vector<512x768xf32>
    %get3A_2 = arith.constant 0 : index
    %get3A_3 = arith.constant 0 : index
    %get3A_4 = vector.load %arg2[%get3A_2, %get3A_3] : memref<768x2304xf32, #tpu.memory_space<vmem>>, vector<768x2304xf32>
    %dot_general3A = arith.constant dense<0.000000e+00> : vector<512x2304xf32>
    %dot_general3A_5 = tpu.matmul %get3A_1, %get3A_4, %dot_general3A {dimension_numbers = #tpu.dot_dimension_numbers<[1], [0], [0], [1], [0, 0, 1, 1], [], []>, transpose_lhs_hint = false} : vector<512x768xf32>, vector<768x2304xf32>, vector<512x2304xf32> -> vector<512x2304xf32>
    %get3A_6 = arith.constant 0 : index
    %get3A_7 = arith.constant 0 : index
    %get3A_8 = vector.load %arg3[%get3A_6, %get3A_7] : memref<1x2304xf32, #tpu.memory_space<vmem>>, vector<1x2304xf32>
    %add3A = vector.broadcast %get3A_8 : vector<1x2304xf32> to vector<512x2304xf32>
    %add3A_9 = arith.addf %dot_general3A_5, %add3A : vector<512x2304xf32>
    %get3A_10 = arith.constant 0 : index
    %get3A_11 = arith.constant 0 : index
    %get3A_12 = vector.load %arg4[%get3A_10, %get3A_11] : memref<512x64xf32, #tpu.memory_space<vmem>>, vector<512x64xf32>
    %get3A_13 = arith.constant 0 : index
    %get3A_14 = arith.constant 0 : index
    %get3A_15 = vector.load %arg5[%get3A_13, %get3A_14] : memref<512x64xf32, #tpu.memory_space<vmem>>, vector<512x64xf32>
    %broadcast_in_dim3A = arith.constant 1.000000e+00 : f32
    %broadcast_in_dim3A_16 = vector.broadcast %broadcast_in_dim3A : f32 to vector<512x64xf32>
    %broadcast_in_dim3A_17 = arith.constant 0.000000e+00 : f32
    %broadcast_in_dim3A_18 = vector.broadcast %broadcast_in_dim3A_17 : f32 to vector<512x64xf32>
    %concatenate3A = tpu.concatenate %get3A_12, %get3A_12, %broadcast_in_dim3A_16, %get3A_12, %get3A_12, %broadcast_in_dim3A_16, %get3A_12, %get3A_12, %broadcast_in_dim3A_16, %get3A_12, %get3A_12, %broadcast_in_dim3A_16, %get3A_12, %get3A_12, %broadcast_in_dim3A_16, %get3A_12, %get3A_12, %broadcast_in_dim3A_16, %get3A_12, %get3A_12, %broadcast_in_dim3A_16, %get3A_12, %get3A_12, %broadcast_in_dim3A_16, %get3A_12, %get3A_12, %broadcast_in_dim3A_16, %get3A_12, %get3A_12, %broadcast_in_dim3A_16, %get3A_12, %get3A_12, %broadcast_in_dim3A_16, %get3A_12, %get3A_12, %broadcast_in_dim3A_16 in 1 : vector<512x64xf32>, vector<512x64xf32>, vector<512x64xf32>, vector<512x64xf32>, vector<512x64xf32>, vector<512x64xf32>, vector<512x64xf32>, vector<512x64xf32>, vector<512x64xf32>, vector<512x64xf32>, vector<512x64xf32>, vector<512x64xf32>, vector<512x64xf32>, vector<512x64xf32>, vector<512x64xf32>, vector<512x64xf32>, vector<512x64xf32>, vector<512x64xf32>, vector<512x64xf32>, vector<512x64xf32>, vector<512x64xf32>, vector<512x64xf32>, vector<512x64xf32>, vector<512x64xf32>, vector<512x64xf32>, vector<512x64xf32>, vector<512x64xf32>, vector<512x64xf32>, vector<512x64xf32>, vector<512x64xf32>, vector<512x64xf32>, vector<512x64xf32>, vector<512x64xf32>, vector<512x64xf32>, vector<512x64xf32>, vector<512x64xf32> -> vector<512x2304xf32>
    %concatenate3A_19 = tpu.concatenate %get3A_15, %get3A_15, %broadcast_in_dim3A_18, %get3A_15, %get3A_15, %broadcast_in_dim3A_18, %get3A_15, %get3A_15, %broadcast_in_dim3A_18, %get3A_15, %get3A_15, %broadcast_in_dim3A_18, %get3A_15, %get3A_15, %broadcast_in_dim3A_18, %get3A_15, %get3A_15, %broadcast_in_dim3A_18, %get3A_15, %get3A_15, %broadcast_in_dim3A_18, %get3A_15, %get3A_15, %broadcast_in_dim3A_18, %get3A_15, %get3A_15, %broadcast_in_dim3A_18, %get3A_15, %get3A_15, %broadcast_in_dim3A_18, %get3A_15, %get3A_15, %broadcast_in_dim3A_18, %get3A_15, %get3A_15, %broadcast_in_dim3A_18 in 1 : vector<512x64xf32>, vector<512x64xf32>, vector<512x64xf32>, vector<512x64xf32>, vector<512x64xf32>, vector<512x64xf32>, vector<512x64xf32>, vector<512x64xf32>, vector<512x64xf32>, vector<512x64xf32>, vector<512x64xf32>, vector<512x64xf32>, vector<512x64xf32>, vector<512x64xf32>, vector<512x64xf32>, vector<512x64xf32>, vector<512x64xf32>, vector<512x64xf32>, vector<512x64xf32>, vector<512x64xf32>, vector<512x64xf32>, vector<512x64xf32>, vector<512x64xf32>, vector<512x64xf32>, vector<512x64xf32>, vector<512x64xf32>, vector<512x64xf32>, vector<512x64xf32>, vector<512x64xf32>, vector<512x64xf32>, vector<512x64xf32>, vector<512x64xf32>, vector<512x64xf32>, vector<512x64xf32>, vector<512x64xf32>, vector<512x64xf32> -> vector<512x2304xf32>
    %slice3A = vector.extract_strided_slice %add3A_9 {offsets = [0, 1], sizes = [512, 2303], strides = [1, 1]} : vector<512x2304xf32> to vector<512x2303xf32>
    %slice3A_20 = vector.extract_strided_slice %add3A_9 {offsets = [0, 0], sizes = [512, 1], strides = [1, 1]} : vector<512x2304xf32> to vector<512x1xf32>
    %concatenate3A_21 = tpu.concatenate %slice3A, %slice3A_20 in 1 : vector<512x2303xf32>, vector<512x1xf32> -> vector<512x2304xf32>
    %slice3A_22 = vector.extract_strided_slice %add3A_9 {offsets = [0, 2303], sizes = [512, 1], strides = [1, 1]} : vector<512x2304xf32> to vector<512x1xf32>
    %slice3A_23 = vector.extract_strided_slice %add3A_9 {offsets = [0, 0], sizes = [512, 2303], strides = [1, 1]} : vector<512x2304xf32> to vector<512x2303xf32>
    %concatenate3A_24 = tpu.concatenate %slice3A_22, %slice3A_23 in 1 : vector<512x1xf32>, vector<512x2303xf32> -> vector<512x2304xf32>
    %iota3A = tpu.iota {dimensions = array<i32: 1>} : vector<512x2304xi32>
    %jit3A = arith.constant 2 : i32
    %eq3A = arith.constant 0 : i32
    %eq3A_25 = arith.cmpi eq, %jit3A, %eq3A : i32
    %jit3A_26 = arith.constant 1 : i32
    %select_n3A = arith.select %eq3A_25, %jit3A_26, %jit3A : i32
    %rem3A = vector.broadcast %select_n3A : i32 to vector<512x2304xi32>
    %rem3A_27 = arith.remsi %iota3A, %rem3A : vector<512x2304xi32>
    %ne3A = arith.constant 0 : i32
    %ne3A_28 = vector.broadcast %ne3A : i32 to vector<512x2304xi32>
    %ne3A_29 = arith.cmpi ne, %rem3A_27, %ne3A_28 : vector<512x2304xi32>
    %lt3A = arith.constant 0 : i32
    %lt3A_30 = vector.broadcast %lt3A : i32 to vector<512x2304xi32>
    %lt3A_31 = arith.cmpi slt, %rem3A_27, %lt3A_30 : vector<512x2304xi32>
    %lt3A_32 = arith.constant 0 : i32
    %lt3A_33 = arith.cmpi slt, %select_n3A, %lt3A_32 : i32
    %ne3A_34 = vector.broadcast %lt3A_33 : i1 to vector<512x2304xi1>
    %ne3A_35 = vector.broadcast %ne3A_34 : vector<512x2304xi1> to vector<512x2304xi1>
    %ne3A_36 = arith.xori %lt3A_31, %ne3A_35 : vector<512x2304xi1>
    %and3A = arith.andi %ne3A_36, %ne3A_29 : vector<512x2304xi1>
    %add3A_37 = vector.broadcast %select_n3A : i32 to vector<512x2304xi32>
    %add3A_38 = arith.addi %rem3A_27, %add3A_37 : vector<512x2304xi32>
    %select_n3A_39 = arith.select %and3A, %add3A_38, %rem3A_27 : vector<512x2304xi1>, vector<512x2304xi32>
    %eq3A_40 = arith.constant 0 : i32
    %eq3A_41 = vector.broadcast %eq3A_40 : i32 to vector<512x2304xi32>
    %eq3A_42 = arith.cmpi eq, %select_n3A_39, %eq3A_41 : vector<512x2304xi32>
    %neg3A = arith.constant 0.000000e+00 : f32
    %neg3A_43 = vector.broadcast %neg3A : f32 to vector<512x2304xf32>
    %neg3A_44 = arith.subf %neg3A_43, %concatenate3A_21 : vector<512x2304xf32>
    %select_n3A_45 = arith.select %eq3A_42, %neg3A_44, %concatenate3A_24 : vector<512x2304xi1>, vector<512x2304xf32>
    %mul3A = arith.mulf %add3A_9, %concatenate3A : vector<512x2304xf32>
    %mul3A_46 = arith.mulf %select_n3A_45, %concatenate3A_19 : vector<512x2304xf32>
    %add3A_47 = arith.addf %mul3A, %mul3A_46 : vector<512x2304xf32>
    %broadcast_in_dim3A_48 = arith.constant 0.000000e+00 : f32
    %broadcast_in_dim3A_49 = vector.broadcast %broadcast_in_dim3A_48 : f32 to vector<512x64xf32>
    %slice3A_50 = vector.extract_strided_slice %add3A_47 {offsets = [0, 0], sizes = [512, 192], strides = [1, 1]} : vector<512x2304xf32> to vector<512x192xf32>
    %slice3A_51 = vector.extract_strided_slice %add3A_47 {offsets = [0, 192], sizes = [512, 192], strides = [1, 1]} : vector<512x2304xf32> to vector<512x192xf32>
    %slice3A_52 = vector.extract_strided_slice %add3A_47 {offsets = [0, 384], sizes = [512, 192], strides = [1, 1]} : vector<512x2304xf32> to vector<512x192xf32>
    %slice3A_53 = vector.extract_strided_slice %add3A_47 {offsets = [0, 576], sizes = [512, 192], strides = [1, 1]} : vector<512x2304xf32> to vector<512x192xf32>
    %slice3A_54 = vector.extract_strided_slice %add3A_47 {offsets = [0, 768], sizes = [512, 192], strides = [1, 1]} : vector<512x2304xf32> to vector<512x192xf32>
    %slice3A_55 = vector.extract_strided_slice %add3A_47 {offsets = [0, 960], sizes = [512, 192], strides = [1, 1]} : vector<512x2304xf32> to vector<512x192xf32>
    %slice3A_56 = vector.extract_strided_slice %add3A_47 {offsets = [0, 1152], sizes = [512, 192], strides = [1, 1]} : vector<512x2304xf32> to vector<512x192xf32>
    %slice3A_57 = vector.extract_strided_slice %add3A_47 {offsets = [0, 1344], sizes = [512, 192], strides = [1, 1]} : vector<512x2304xf32> to vector<512x192xf32>
    %slice3A_58 = vector.extract_strided_slice %add3A_47 {offsets = [0, 1536], sizes = [512, 192], strides = [1, 1]} : vector<512x2304xf32> to vector<512x192xf32>
    %slice3A_59 = vector.extract_strided_slice %add3A_47 {offsets = [0, 1728], sizes = [512, 192], strides = [1, 1]} : vector<512x2304xf32> to vector<512x192xf32>
    %slice3A_60 = vector.extract_strided_slice %add3A_47 {offsets = [0, 1920], sizes = [512, 192], strides = [1, 1]} : vector<512x2304xf32> to vector<512x192xf32>
    %slice3A_61 = vector.extract_strided_slice %add3A_47 {offsets = [0, 2112], sizes = [512, 192], strides = [1, 1]} : vector<512x2304xf32> to vector<512x192xf32>
    %concatenate3A_62 = tpu.concatenate %slice3A_50, %broadcast_in_dim3A_49, %slice3A_51, %broadcast_in_dim3A_49, %slice3A_52, %broadcast_in_dim3A_49, %slice3A_53, %broadcast_in_dim3A_49, %slice3A_54, %broadcast_in_dim3A_49, %slice3A_55, %broadcast_in_dim3A_49, %slice3A_56, %broadcast_in_dim3A_49, %slice3A_57, %broadcast_in_dim3A_49, %slice3A_58, %broadcast_in_dim3A_49, %slice3A_59, %broadcast_in_dim3A_49, %slice3A_60, %broadcast_in_dim3A_49, %slice3A_61, %broadcast_in_dim3A_49 in 1 : vector<512x192xf32>, vector<512x64xf32>, vector<512x192xf32>, vector<512x64xf32>, vector<512x192xf32>, vector<512x64xf32>, vector<512x192xf32>, vector<512x64xf32>, vector<512x192xf32>, vector<512x64xf32>, vector<512x192xf32>, vector<512x64xf32>, vector<512x192xf32>, vector<512x64xf32>, vector<512x192xf32>, vector<512x64xf32>, vector<512x192xf32>, vector<512x64xf32>, vector<512x192xf32>, vector<512x64xf32>, vector<512x192xf32>, vector<512x64xf32>, vector<512x192xf32>, vector<512x64xf32> -> vector<512x3072xf32>
    %swap3A = arith.constant 0 : index
    %swap3A_63 = arith.constant 0 : index
    %swap3A_64 = vector.load %arg7[%swap3A, %swap3A_63] : memref<512x3072xf32, #tpu.memory_space<vmem>>, vector<512x3072xf32>
    tpu.vector_store %arg7[%swap3A, %swap3A_63], %concatenate3A_62 {strides = array<i32>} : memref<512x3072xf32, #tpu.memory_space<vmem>>, vector<512x3072xf32>,
    %get3A_65 = arith.constant 0 : index
    %get3A_66 = arith.constant 0 : index
    %get3A_67 = vector.load %arg6[%get3A_65, %get3A_66] : memref<64x64xf32, #tpu.memory_space<vmem>>, vector<64x64xf32>
    %slice3A_68 = vector.extract_strided_slice %add3A_47 {offsets = [0, 0], sizes = [512, 64], strides = [1, 1]} : vector<512x2304xf32> to vector<512x64xf32>
    %dot_general3A_69 = arith.constant dense<0.000000e+00> : vector<512x64xf32>
    %dot_general3A_70 = tpu.matmul %slice3A_68, %get3A_67, %dot_general3A_69 {dimension_numbers = #tpu.dot_dimension_numbers<[1], [0], [0], [1], [0, 0, 1, 1], [], []>, transpose_lhs_hint = false} : vector<512x64xf32>, vector<64x64xf32>, vector<512x64xf32> -> vector<512x64xf32>
    %neg3A_71 = arith.constant 0.000000e+00 : f32
    %neg3A_72 = vector.broadcast %neg3A_71 : f32 to vector<512x64xf32>
    %neg3A_73 = arith.subf %neg3A_72, %dot_general3A_70 : vector<512x64xf32>
    %concatenate3A_74 = tpu.concatenate %dot_general3A_70, %neg3A_73 in 1 : vector<512x64xf32>, vector<512x64xf32> -> vector<512x128xf32>
    %argmax3A = tpu.reduce_index %concatenate3A_74 {axis = 1 : i32, kind = #tpu.reduction_kind<arg_max>} : vector<512x128xf32> -> vector<512xi32>
    %broadcast_in_dim3A_75 = vector.shape_cast %argmax3A : vector<512xi32> to vector<512x1xi32>
    %slice3A_76 = vector.extract_strided_slice %add3A_47 {offsets = [0, 192], sizes = [512, 64], strides = [1, 1]} : vector<512x2304xf32> to vector<512x64xf32>
    %dot_general3A_77 = arith.constant dense<0.000000e+00> : vector<512x64xf32>
    %dot_general3A_78 = tpu.matmul %slice3A_76, %get3A_67, %dot_general3A_77 {dimension_numbers = #tpu.dot_dimension_numbers<[1], [0], [0], [1], [0, 0, 1, 1], [], []>, transpose_lhs_hint = false} : vector<512x64xf32>, vector<64x64xf32>, vector<512x64xf32> -> vector<512x64xf32>
    %neg3A_79 = arith.constant 0.000000e+00 : f32
    %neg3A_80 = vector.broadcast %neg3A_79 : f32 to vector<512x64xf32>
    %neg3A_81 = arith.subf %neg3A_80, %dot_general3A_78 : vector<512x64xf32>
    %concatenate3A_82 = tpu.concatenate %dot_general3A_78, %neg3A_81 in 1 : vector<512x64xf32>, vector<512x64xf32> -> vector<512x128xf32>
    %argmax3A_83 = tpu.reduce_index %concatenate3A_82 {axis = 1 : i32, kind = #tpu.reduction_kind<arg_max>} : vector<512x128xf32> -> vector<512xi32>
    %broadcast_in_dim3A_84 = vector.shape_cast %argmax3A_83 : vector<512xi32> to vector<512x1xi32>
    %slice3A_85 = vector.extract_strided_slice %add3A_47 {offsets = [0, 384], sizes = [512, 64], strides = [1, 1]} : vector<512x2304xf32> to vector<512x64xf32>
    %dot_general3A_86 = arith.constant dense<0.000000e+00> : vector<512x64xf32>
    %dot_general3A_87 = tpu.matmul %slice3A_85, %get3A_67, %dot_general3A_86 {dimension_numbers = #tpu.dot_dimension_numbers<[1], [0], [0], [1], [0, 0, 1, 1], [], []>, transpose_lhs_hint = false} : vector<512x64xf32>, vector<64x64xf32>, vector<512x64xf32> -> vector<512x64xf32>
    %neg3A_88 = arith.constant 0.000000e+00 : f32
    %neg3A_89 = vector.broadcast %neg3A_88 : f32 to vector<512x64xf32>
    %neg3A_90 = arith.subf %neg3A_89, %dot_general3A_87 : vector<512x64xf32>
    %concatenate3A_91 = tpu.concatenate %dot_general3A_87, %neg3A_90 in 1 : vector<512x64xf32>, vector<512x64xf32> -> vector<512x128xf32>
    %argmax3A_92 = tpu.reduce_index %concatenate3A_91 {axis = 1 : i32, kind = #tpu.reduction_kind<arg_max>} : vector<512x128xf32> -> vector<512xi32>
    %broadcast_in_dim3A_93 = vector.shape_cast %argmax3A_92 : vector<512xi32> to vector<512x1xi32>
    %slice3A_94 = vector.extract_strided_slice %add3A_47 {offsets = [0, 576], sizes = [512, 64], strides = [1, 1]} : vector<512x2304xf32> to vector<512x64xf32>
    %dot_general3A_95 = arith.constant dense<0.000000e+00> : vector<512x64xf32>
    %dot_general3A_96 = tpu.matmul %slice3A_94, %get3A_67, %dot_general3A_95 {dimension_numbers = #tpu.dot_dimension_numbers<[1], [0], [0], [1], [0, 0, 1, 1], [], []>, transpose_lhs_hint = false} : vector<512x64xf32>, vector<64x64xf32>, vector<512x64xf32> -> vector<512x64xf32>
    %neg3A_97 = arith.constant 0.000000e+00 : f32
    %neg3A_98 = vector.broadcast %neg3A_97 : f32 to vector<512x64xf32>
    %neg3A_99 = arith.subf %neg3A_98, %dot_general3A_96 : vector<512x64xf32>
    %concatenate3A_100 = tpu.concatenate %dot_general3A_96, %neg3A_99 in 1 : vector<512x64xf32>, vector<512x64xf32> -> vector<512x128xf32>
    %argmax3A_101 = tpu.reduce_index %concatenate3A_100 {axis = 1 : i32, kind = #tpu.reduction_kind<arg_max>} : vector<512x128xf32> -> vector<512xi32>
    %broadcast_in_dim3A_102 = vector.shape_cast %argmax3A_101 : vector<512xi32> to vector<512x1xi32>
    %slice3A_103 = vector.extract_strided_slice %add3A_47 {offsets = [0, 768], sizes = [512, 64], strides = [1, 1]} : vector<512x2304xf32> to vector<512x64xf32>
    %dot_general3A_104 = arith.constant dense<0.000000e+00> : vector<512x64xf32>
    %dot_general3A_105 = tpu.matmul %slice3A_103, %get3A_67, %dot_general3A_104 {dimension_numbers = #tpu.dot_dimension_numbers<[1], [0], [0], [1], [0, 0, 1, 1], [], []>, transpose_lhs_hint = false} : vector<512x64xf32>, vector<64x64xf32>, vector<512x64xf32> -> vector<512x64xf32>
    %neg3A_106 = arith.constant 0.000000e+00 : f32
    %neg3A_107 = vector.broadcast %neg3A_106 : f32 to vector<512x64xf32>
    %neg3A_108 = arith.subf %neg3A_107, %dot_general3A_105 : vector<512x64xf32>
    %concatenate3A_109 = tpu.concatenate %dot_general3A_105, %neg3A_108 in 1 : vector<512x64xf32>, vector<512x64xf32> -> vector<512x128xf32>
    %argmax3A_110 = tpu.reduce_index %concatenate3A_109 {axis = 1 : i32, kind = #tpu.reduction_kind<arg_max>} : vector<512x128xf32> -> vector<512xi32>
    %broadcast_in_dim3A_111 = vector.shape_cast %argmax3A_110 : vector<512xi32> to vector<512x1xi32>
    %slice3A_112 = vector.extract_strided_slice %add3A_47 {offsets = [0, 960], sizes = [512, 64], strides = [1, 1]} : vector<512x2304xf32> to vector<512x64xf32>
    %dot_general3A_113 = arith.constant dense<0.000000e+00> : vector<512x64xf32>
    %dot_general3A_114 = tpu.matmul %slice3A_112, %get3A_67, %dot_general3A_113 {dimension_numbers = #tpu.dot_dimension_numbers<[1], [0], [0], [1], [0, 0, 1, 1], [], []>, transpose_lhs_hint = false} : vector<512x64xf32>, vector<64x64xf32>, vector<512x64xf32> -> vector<512x64xf32>
    %neg3A_115 = arith.constant 0.000000e+00 : f32
    %neg3A_116 = vector.broadcast %neg3A_115 : f32 to vector<512x64xf32>
    %neg3A_117 = arith.subf %neg3A_116, %dot_general3A_114 : vector<512x64xf32>
    %concatenate3A_118 = tpu.concatenate %dot_general3A_114, %neg3A_117 in 1 : vector<512x64xf32>, vector<512x64xf32> -> vector<512x128xf32>
    %argmax3A_119 = tpu.reduce_index %concatenate3A_118 {axis = 1 : i32, kind = #tpu.reduction_kind<arg_max>} : vector<512x128xf32> -> vector<512xi32>
    %broadcast_in_dim3A_120 = vector.shape_cast %argmax3A_119 : vector<512xi32> to vector<512x1xi32>
    %slice3A_121 = vector.extract_strided_slice %add3A_47 {offsets = [0, 1152], sizes = [512, 64], strides = [1, 1]} : vector<512x2304xf32> to vector<512x64xf32>
    %dot_general3A_122 = arith.constant dense<0.000000e+00> : vector<512x64xf32>
    %dot_general3A_123 = tpu.matmul %slice3A_121, %get3A_67, %dot_general3A_122 {dimension_numbers = #tpu.dot_dimension_numbers<[1], [0], [0], [1], [0, 0, 1, 1], [], []>, transpose_lhs_hint = false} : vector<512x64xf32>, vector<64x64xf32>, vector<512x64xf32> -> vector<512x64xf32>
    %neg3A_124 = arith.constant 0.000000e+00 : f32
    %neg3A_125 = vector.broadcast %neg3A_124 : f32 to vector<512x64xf32>
    %neg3A_126 = arith.subf %neg3A_125, %dot_general3A_123 : vector<512x64xf32>
    %concatenate3A_127 = tpu.concatenate %dot_general3A_123, %neg3A_126 in 1 : vector<512x64xf32>, vector<512x64xf32> -> vector<512x128xf32>
    %argmax3A_128 = tpu.reduce_index %concatenate3A_127 {axis = 1 : i32, kind = #tpu.reduction_kind<arg_max>} : vector<512x128xf32> -> vector<512xi32>
    %broadcast_in_dim3A_129 = vector.shape_cast %argmax3A_128 : vector<512xi32> to vector<512x1xi32>
    %slice3A_130 = vector.extract_strided_slice %add3A_47 {offsets = [0, 1344], sizes = [512, 64], strides = [1, 1]} : vector<512x2304xf32> to vector<512x64xf32>
    %dot_general3A_131 = arith.constant dense<0.000000e+00> : vector<512x64xf32>
    %dot_general3A_132 = tpu.matmul %slice3A_130, %get3A_67, %dot_general3A_131 {dimension_numbers = #tpu.dot_dimension_numbers<[1], [0], [0], [1], [0, 0, 1, 1], [], []>, transpose_lhs_hint = false} : vector<512x64xf32>, vector<64x64xf32>, vector<512x64xf32> -> vector<512x64xf32>
    %neg3A_133 = arith.constant 0.000000e+00 : f32
    %neg3A_134 = vector.broadcast %neg3A_133 : f32 to vector<512x64xf32>
    %neg3A_135 = arith.subf %neg3A_134, %dot_general3A_132 : vector<512x64xf32>
    %concatenate3A_136 = tpu.concatenate %dot_general3A_132, %neg3A_135 in 1 : vector<512x64xf32>, vector<512x64xf32> -> vector<512x128xf32>
    %argmax3A_137 = tpu.reduce_index %concatenate3A_136 {axis = 1 : i32, kind = #tpu.reduction_kind<arg_max>} : vector<512x128xf32> -> vector<512xi32>
    %broadcast_in_dim3A_138 = vector.shape_cast %argmax3A_137 : vector<512xi32> to vector<512x1xi32>
    %slice3A_139 = vector.extract_strided_slice %add3A_47 {offsets = [0, 1536], sizes = [512, 64], strides = [1, 1]} : vector<512x2304xf32> to vector<512x64xf32>
    %dot_general3A_140 = arith.constant dense<0.000000e+00> : vector<512x64xf32>
    %dot_general3A_141 = tpu.matmul %slice3A_139, %get3A_67, %dot_general3A_140 {dimension_numbers = #tpu.dot_dimension_numbers<[1], [0], [0], [1], [0, 0, 1, 1], [], []>, transpose_lhs_hint = false} : vector<512x64xf32>, vector<64x64xf32>, vector<512x64xf32> -> vector<512x64xf32>
    %neg3A_142 = arith.constant 0.000000e+00 : f32
    %neg3A_143 = vector.broadcast %neg3A_142 : f32 to vector<512x64xf32>
    %neg3A_144 = arith.subf %neg3A_143, %dot_general3A_141 : vector<512x64xf32>
    %concatenate3A_145 = tpu.concatenate %dot_general3A_141, %neg3A_144 in 1 : vector<512x64xf32>, vector<512x64xf32> -> vector<512x128xf32>
    %argmax3A_146 = tpu.reduce_index %concatenate3A_145 {axis = 1 : i32, kind = #tpu.reduction_kind<arg_max>} : vector<512x128xf32> -> vector<512xi32>
    %broadcast_in_dim3A_147 = vector.shape_cast %argmax3A_146 : vector<512xi32> to vector<512x1xi32>
    %slice3A_148 = vector.extract_strided_slice %add3A_47 {offsets = [0, 1728], sizes = [512, 64], strides = [1, 1]} : vector<512x2304xf32> to vector<512x64xf32>
    %dot_general3A_149 = arith.constant dense<0.000000e+00> : vector<512x64xf32>
    %dot_general3A_150 = tpu.matmul %slice3A_148, %get3A_67, %dot_general3A_149 {dimension_numbers = #tpu.dot_dimension_numbers<[1], [0], [0], [1], [0, 0, 1, 1], [], []>, transpose_lhs_hint = false} : vector<512x64xf32>, vector<64x64xf32>, vector<512x64xf32> -> vector<512x64xf32>
    %neg3A_151 = arith.constant 0.000000e+00 : f32
    %neg3A_152 = vector.broadcast %neg3A_151 : f32 to vector<512x64xf32>
    %neg3A_153 = arith.subf %neg3A_152, %dot_general3A_150 : vector<512x64xf32>
    %concatenate3A_154 = tpu.concatenate %dot_general3A_150, %neg3A_153 in 1 : vector<512x64xf32>, vector<512x64xf32> -> vector<512x128xf32>
    %argmax3A_155 = tpu.reduce_index %concatenate3A_154 {axis = 1 : i32, kind = #tpu.reduction_kind<arg_max>} : vector<512x128xf32> -> vector<512xi32>
    %broadcast_in_dim3A_156 = vector.shape_cast %argmax3A_155 : vector<512xi32> to vector<512x1xi32>
    %slice3A_157 = vector.extract_strided_slice %add3A_47 {offsets = [0, 1920], sizes = [512, 64], strides = [1, 1]} : vector<512x2304xf32> to vector<512x64xf32>
    %dot_general3A_158 = arith.constant dense<0.000000e+00> : vector<512x64xf32>
    %dot_general3A_159 = tpu.matmul %slice3A_157, %get3A_67, %dot_general3A_158 {dimension_numbers = #tpu.dot_dimension_numbers<[1], [0], [0], [1], [0, 0, 1, 1], [], []>, transpose_lhs_hint = false} : vector<512x64xf32>, vector<64x64xf32>, vector<512x64xf32> -> vector<512x64xf32>
    %neg3A_160 = arith.constant 0.000000e+00 : f32
    %neg3A_161 = vector.broadcast %neg3A_160 : f32 to vector<512x64xf32>
    %neg3A_162 = arith.subf %neg3A_161, %dot_general3A_159 : vector<512x64xf32>
    %concatenate3A_163 = tpu.concatenate %dot_general3A_159, %neg3A_162 in 1 : vector<512x64xf32>, vector<512x64xf32> -> vector<512x128xf32>
    %argmax3A_164 = tpu.reduce_index %concatenate3A_163 {axis = 1 : i32, kind = #tpu.reduction_kind<arg_max>} : vector<512x128xf32> -> vector<512xi32>
    %broadcast_in_dim3A_165 = vector.shape_cast %argmax3A_164 : vector<512xi32> to vector<512x1xi32>
    %slice3A_166 = vector.extract_strided_slice %add3A_47 {offsets = [0, 2112], sizes = [512, 64], strides = [1, 1]} : vector<512x2304xf32> to vector<512x64xf32>
    %dot_general3A_167 = arith.constant dense<0.000000e+00> : vector<512x64xf32>
    %dot_general3A_168 = tpu.matmul %slice3A_166, %get3A_67, %dot_general3A_167 {dimension_numbers = #tpu.dot_dimension_numbers<[1], [0], [0], [1], [0, 0, 1, 1], [], []>, transpose_lhs_hint = false} : vector<512x64xf32>, vector<64x64xf32>, vector<512x64xf32> -> vector<512x64xf32>
    %neg3A_169 = arith.constant 0.000000e+00 : f32
    %neg3A_170 = vector.broadcast %neg3A_169 : f32 to vector<512x64xf32>
    %neg3A_171 = arith.subf %neg3A_170, %dot_general3A_168 : vector<512x64xf32>
    %concatenate3A_172 = tpu.concatenate %dot_general3A_168, %neg3A_171 in 1 : vector<512x64xf32>, vector<512x64xf32> -> vector<512x128xf32>
    %argmax3A_173 = tpu.reduce_index %concatenate3A_172 {axis = 1 : i32, kind = #tpu.reduction_kind<arg_max>} : vector<512x128xf32> -> vector<512xi32>
    %broadcast_in_dim3A_174 = vector.shape_cast %argmax3A_173 : vector<512xi32> to vector<512x1xi32>
    %concatenate3A_175 = tpu.concatenate %broadcast_in_dim3A_75, %broadcast_in_dim3A_84, %broadcast_in_dim3A_93, %broadcast_in_dim3A_102, %broadcast_in_dim3A_111, %broadcast_in_dim3A_120, %broadcast_in_dim3A_129, %broadcast_in_dim3A_138, %broadcast_in_dim3A_147, %broadcast_in_dim3A_156, %broadcast_in_dim3A_165, %broadcast_in_dim3A_174 in 1 : vector<512x1xi32>, vector<512x1xi32>, vector<512x1xi32>, vector<512x1xi32>, vector<512x1xi32>, vector<512x1xi32>, vector<512x1xi32>, vector<512x1xi32>, vector<512x1xi32>, vector<512x1xi32>, vector<512x1xi32>, vector<512x1xi32> -> vector<512x12xi32>
    %swap3A_176 = arith.constant 0 : index
    %swap3A_177 = arith.constant 0 : index
    %swap3A_178 = vector.load %arg8[%swap3A_176, %swap3A_177] : memref<512x12xi32, #tpu.memory_space<vmem>>, vector<512x12xi32>
    tpu.vector_store %arg8[%swap3A_176, %swap3A_177], %concatenate3A_175 {strides = array<i32>} : memref<512x12xi32, #tpu.memory_space<vmem>>, vector<512x12xi32>,
    return
  }
  func.func @transform_0(%arg0: i32) -> (i32, i32) {
    %c0_i32 = arith.constant 0 : i32
    %c0_i32_0 = arith.constant 0 : i32
    return %arg0, %c0_i32 : i32, i32
  }
  func.func @transform_1(%arg0: i32) -> (i32, i32) {
    %c0_i32 = arith.constant 0 : i32
    %c0_i32_0 = arith.constant 0 : i32
    %c0_i32_1 = arith.constant 0 : i32
    return %c0_i32, %c0_i32_0 : i32, i32
  }
  func.func @transform_2(%arg0: i32) -> (i32, i32) {
    %c0_i32 = arith.constant 0 : i32
    %c0_i32_0 = arith.constant 0 : i32
    %c0_i32_1 = arith.constant 0 : i32
    return %c0_i32, %c0_i32_0 : i32, i32
  }
  func.func @transform_3(%arg0: i32) -> (i32, i32) {
    %jit3A = arith.constant 16 : i32
    %eq3A = arith.constant 0 : i32
    %eq3A_0 = arith.cmpi eq, %jit3A, %eq3A : i32
    %jit3A_1 = arith.constant 1 : i32
    %select_n3A = arith.select %eq3A_0, %jit3A_1, %jit3A : i32
    %rem3A = arith.remsi %arg0, %select_n3A : i32
    %ne3A = arith.constant 0 : i32
    %ne3A_2 = arith.cmpi ne, %rem3A, %ne3A : i32
    %lt3A = arith.constant 0 : i32
    %lt3A_3 = arith.cmpi slt, %rem3A, %lt3A : i32
    %lt3A_4 = arith.constant 0 : i32
    %lt3A_5 = arith.cmpi slt, %select_n3A, %lt3A_4 : i32
    %ne3A_6 = arith.xori %lt3A_3, %lt3A_5 : i1
    %and3A = arith.andi %ne3A_6, %ne3A_2 : i1
    %add3A = arith.addi %rem3A, %select_n3A : i32
    %select_n3A_7 = arith.select %and3A, %add3A, %rem3A : i32
    %c0_i32 = arith.constant 0 : i32
    %c0_i32_8 = arith.constant 0 : i32
    return %select_n3A_7, %c0_i32 : i32, i32
  }
  func.func @transform_4(%arg0: i32) -> (i32, i32) {
    %jit3A = arith.constant 16 : i32
    %eq3A = arith.constant 0 : i32
    %eq3A_0 = arith.cmpi eq, %jit3A, %eq3A : i32
    %jit3A_1 = arith.constant 1 : i32
    %select_n3A = arith.select %eq3A_0, %jit3A_1, %jit3A : i32
    %rem3A = arith.remsi %arg0, %select_n3A : i32
    %ne3A = arith.constant 0 : i32
    %ne3A_2 = arith.cmpi ne, %rem3A, %ne3A : i32
    %lt3A = arith.constant 0 : i32
    %lt3A_3 = arith.cmpi slt, %rem3A, %lt3A : i32
    %lt3A_4 = arith.constant 0 : i32
    %lt3A_5 = arith.cmpi slt, %select_n3A, %lt3A_4 : i32
    %ne3A_6 = arith.xori %lt3A_3, %lt3A_5 : i1
    %and3A = arith.andi %ne3A_6, %ne3A_2 : i1
    %add3A = arith.addi %rem3A, %select_n3A : i32
    %select_n3A_7 = arith.select %and3A, %add3A, %rem3A : i32
    %c0_i32 = arith.constant 0 : i32
    %c0_i32_8 = arith.constant 0 : i32
    return %select_n3A_7, %c0_i32 : i32, i32
  }
  func.func @transform_5(%arg0: i32) -> (i32, i32) {
    %c0_i32 = arith.constant 0 : i32
    %c0_i32_0 = arith.constant 0 : i32
    %c0_i32_1 = arith.constant 0 : i32
    return %c0_i32, %c0_i32_0 : i32, i32
  }
  func.func @transform_6(%arg0: i32) -> (i32, i32) {
    %c0_i32 = arith.constant 0 : i32
    %c0_i32_0 = arith.constant 0 : i32
    return %arg0, %c0_i32 : i32, i32
  }
  func.func @transform_7(%arg0: i32) -> (i32, i32) {
    %c0_i32 = arith.constant 0 : i32
    %c0_i32_0 = arith.constant 0 : i32
    return %arg0, %c0_i32 : i32, i32
  }
}

module attributes {stable_mosaic.version = 14 : i64} {
  func.func @_count_sort_body(%arg0: i32, %arg1: memref<1x64x128xi32, #tpu.memory_space<vmem>>, %arg2: memref<128x128xf32, #tpu.memory_space<vmem>>, %arg3: memref<64x64xf32, #tpu.memory_space<vmem>>, %arg4: memref<128x128xf32, #tpu.memory_space<vmem>>, %arg5: memref<1x64x128xi32, #tpu.memory_space<vmem>>) attributes {dimension_semantics = [#tpu.dimension_semantics<arbitrary>], iteration_bounds = array<i64: 12>, scalar_prefetch = 0 : i64, scratch_operands = 0 : i64, tpu.core_type = #tpu.core_type<tc>, window_params = [{transform_indices = @transform_0, window_bounds = array<i64: 1, 64, 128>}, {pipeline_mode = #tpu.pipeline_mode<synchronous>, transform_indices = @transform_1, window_bounds = array<i64: 128, 128>}, {pipeline_mode = #tpu.pipeline_mode<synchronous>, transform_indices = @transform_2, window_bounds = array<i64: 64, 64>}, {pipeline_mode = #tpu.pipeline_mode<synchronous>, transform_indices = @transform_3, window_bounds = array<i64: 128, 128>}, {transform_indices = @transform_4, window_bounds = array<i64: 1, 64, 128>}]} {
    %get3A = arith.constant 0 : index
    %get3A_0 = arith.constant 0 : index
    %get3A_1 = arith.constant 0 : index
    %get3A_2 = vector.load %arg1[%get3A, %get3A_0, %get3A_1] : memref<1x64x128xi32, #tpu.memory_space<vmem>>, vector<1x64x128xi32>
    %get3A_3 = vector.shape_cast %get3A_2 : vector<1x64x128xi32> to vector<64x128xi32>
    %iota3A = tpu.iota {dimensions = array<i32: 0>} : vector<128x64x128xi32>
    %broadcast_in_dim3A = vector.shape_cast %get3A_3 : vector<64x128xi32> to vector<1x64x128xi32>
    %eq3A = vector.broadcast %broadcast_in_dim3A : vector<1x64x128xi32> to vector<128x64x128xi32>
    %eq3A_4 = arith.cmpi eq, %eq3A, %iota3A : vector<128x64x128xi32>
    %convert_element_type3A = arith.extui %eq3A_4 : vector<128x64x128xi1> to vector<128x64x128xi32>
    %convert_element_type3A_5 = arith.sitofp %convert_element_type3A : vector<128x64x128xi32> to vector<128x64x128xf32>
    %get3A_6 = arith.constant 0 : index
    %get3A_7 = arith.constant 0 : index
    %get3A_8 = vector.load %arg2[%get3A_6, %get3A_7] : memref<128x128xf32, #tpu.memory_space<vmem>>, vector<128x128xf32>
    %dot_general3A = arith.constant dense<0.000000e+00> : vector<128x64x128xf32>
    %dot_general3A_9 = tpu.matmul %convert_element_type3A_5, %get3A_8, %dot_general3A {dimension_numbers = #tpu.dot_dimension_numbers<[2], [0], [0, 1], [1], [0, 0, 0, 1, 1, 1], [], []>, transpose_lhs_hint = false} : vector<128x64x128xf32>, vector<128x128xf32>, vector<128x64x128xf32> -> vector<128x64x128xf32>
    %reduce_sum3A = arith.constant dense<0.000000e+00> : vector<128x64xf32>
    %reduce_sum3A_10 = vector.multi_reduction <add>, %convert_element_type3A_5, %reduce_sum3A [2] : vector<128x64x128xf32> to vector<128x64xf32>
    %get3A_11 = arith.constant 0 : index
    %get3A_12 = arith.constant 0 : index
    %get3A_13 = vector.load %arg3[%get3A_11, %get3A_12] : memref<64x64xf32, #tpu.memory_space<vmem>>, vector<64x64xf32>
    %dot_general3A_14 = arith.constant dense<0.000000e+00> : vector<128x64xf32>
    %dot_general3A_15 = tpu.matmul %reduce_sum3A_10, %get3A_13, %dot_general3A_14 {dimension_numbers = #tpu.dot_dimension_numbers<[1], [0], [0], [1], [0, 0, 1, 1], [], []>, transpose_lhs_hint = false} : vector<128x64xf32>, vector<64x64xf32>, vector<128x64xf32> -> vector<128x64xf32>
    %reduce_sum3A_16 = arith.constant dense<0.000000e+00> : vector<128xf32>
    %reduce_sum3A_17 = vector.multi_reduction <add>, %reduce_sum3A_10, %reduce_sum3A_16 [1] : vector<128x64xf32> to vector<128xf32>
    %broadcast_in_dim3A_18 = vector.shape_cast %reduce_sum3A_17 : vector<128xf32> to vector<128x1xf32>
    %get3A_19 = arith.constant 0 : index
    %get3A_20 = arith.constant 0 : index
    %get3A_21 = vector.load %arg4[%get3A_19, %get3A_20] : memref<128x128xf32, #tpu.memory_space<vmem>>, vector<128x128xf32>
    %dot_general3A_22 = arith.constant dense<0.000000e+00> : vector<128x1xf32>
    %dot_general3A_23 = tpu.matmul %get3A_21, %broadcast_in_dim3A_18, %dot_general3A_22 {dimension_numbers = #tpu.dot_dimension_numbers<[1], [0], [0], [1], [0, 0, 1, 1], [], []>, transpose_lhs_hint = false} : vector<128x128xf32>, vector<128x1xf32>, vector<128x1xf32> -> vector<128x1xf32>
    %broadcast_in_dim3A_24 = vector.shape_cast %dot_general3A_15 : vector<128x64xf32> to vector<128x64x1xf32>
    %add3A = vector.broadcast %broadcast_in_dim3A_24 : vector<128x64x1xf32> to vector<128x64x128xf32>
    %add3A_25 = arith.addf %dot_general3A_9, %add3A : vector<128x64x128xf32>
    %broadcast_in_dim3A_26 = vector.shape_cast %dot_general3A_23 : vector<128x1xf32> to vector<128x1x1xf32>
    %add3A_27 = vector.broadcast %broadcast_in_dim3A_26 : vector<128x1x1xf32> to vector<128x64x128xf32>
    %add3A_28 = arith.addf %add3A_25, %add3A_27 : vector<128x64x128xf32>
    %mul3A = arith.mulf %convert_element_type3A_5, %add3A_28 : vector<128x64x128xf32>
    %reduce_sum3A_29 = arith.constant dense<0.000000e+00> : vector<64x128xf32>
    %reduce_sum3A_30 = vector.multi_reduction <add>, %mul3A, %reduce_sum3A_29 [0] : vector<128x64x128xf32> to vector<64x128xf32>
    %convert_element_type3A_31 = arith.fptosi %reduce_sum3A_30 : vector<64x128xf32> to vector<64x128xi32>
    %swap3A = arith.constant 0 : index
    %swap3A_32 = arith.constant 0 : index
    %swap3A_33 = arith.constant 0 : index
    %swap3A_34 = vector.load %arg5[%swap3A, %swap3A_32, %swap3A_33] : memref<1x64x128xi32, #tpu.memory_space<vmem>>, vector<1x64x128xi32>
    %swap3A_35 = vector.shape_cast %swap3A_34 : vector<1x64x128xi32> to vector<64x128xi32>
    %swap3A_36 = vector.shape_cast %convert_element_type3A_31 : vector<64x128xi32> to vector<1x64x128xi32>
    tpu.vector_store %arg5[%swap3A, %swap3A_32, %swap3A_33], %swap3A_36 {strides = array<i32>} : memref<1x64x128xi32, #tpu.memory_space<vmem>>, vector<1x64x128xi32>,
    return
  }
  func.func @transform_0(%arg0: i32) -> (i32, i32, i32) {
    %c0_i32 = arith.constant 0 : i32
    %c0_i32_0 = arith.constant 0 : i32
    %c0_i32_1 = arith.constant 0 : i32
    return %arg0, %c0_i32, %c0_i32_0 : i32, i32, i32
  }
  func.func @transform_1(%arg0: i32) -> (i32, i32) {
    %c0_i32 = arith.constant 0 : i32
    %c0_i32_0 = arith.constant 0 : i32
    %c0_i32_1 = arith.constant 0 : i32
    return %c0_i32, %c0_i32_0 : i32, i32
  }
  func.func @transform_2(%arg0: i32) -> (i32, i32) {
    %c0_i32 = arith.constant 0 : i32
    %c0_i32_0 = arith.constant 0 : i32
    %c0_i32_1 = arith.constant 0 : i32
    return %c0_i32, %c0_i32_0 : i32, i32
  }
  func.func @transform_3(%arg0: i32) -> (i32, i32) {
    %c0_i32 = arith.constant 0 : i32
    %c0_i32_0 = arith.constant 0 : i32
    %c0_i32_1 = arith.constant 0 : i32
    return %c0_i32, %c0_i32_0 : i32, i32
  }
  func.func @transform_4(%arg0: i32) -> (i32, i32, i32) {
    %c0_i32 = arith.constant 0 : i32
    %c0_i32_0 = arith.constant 0 : i32
    %c0_i32_1 = arith.constant 0 : i32
    return %arg0, %c0_i32, %c0_i32_0 : i32, i32, i32
  }
}

module attributes {stable_mosaic.version = 14 : i64} {
  func.func @_chunk_attn_body(%arg0: i32, %arg1: memref<32x128x256xf32, #tpu.memory_space<vmem>>, %arg2: memref<32x128x128xf32, #tpu.memory_space<vmem>>) attributes {dimension_semantics = [#tpu.dimension_semantics<arbitrary>], iteration_bounds = array<i64: 24>, scalar_prefetch = 0 : i64, scratch_operands = 0 : i64, tpu.core_type = #tpu.core_type<tc>, window_params = [{transform_indices = @transform_0, window_bounds = array<i64: 32, 128, 256>}, {transform_indices = @transform_1, window_bounds = array<i64: 32, 128, 128>}]} {
    %get3A = arith.constant 0 : index
    %get3A_0 = arith.constant 0 : index
    %get3A_1 = arith.constant 0 : index
    %get3A_2 = vector.load %arg1[%get3A, %get3A_0, %get3A_1] : memref<32x128x256xf32, #tpu.memory_space<vmem>>, vector<32x128x256xf32>
    %slice3A = vector.extract_strided_slice %get3A_2 {offsets = [0, 0, 0], sizes = [32, 128, 64], strides = [1, 1, 1]} : vector<32x128x256xf32> to vector<32x128x64xf32>
    %slice3A_3 = vector.extract_strided_slice %get3A_2 {offsets = [0, 0, 64], sizes = [32, 128, 64], strides = [1, 1, 1]} : vector<32x128x256xf32> to vector<32x128x64xf32>
    %slice3A_4 = vector.extract_strided_slice %get3A_2 {offsets = [0, 0, 128], sizes = [32, 128, 64], strides = [1, 1, 1]} : vector<32x128x256xf32> to vector<32x128x64xf32>
    %dot_general3A = arith.constant dense<0.000000e+00> : vector<32x128x128xf32>
    %dot_general3A_5 = tpu.matmul %slice3A, %slice3A_3, %dot_general3A {dimension_numbers = #tpu.dot_dimension_numbers<[2], [2], [1], [1], [0, 0, 0, 1, 1, 1], [0], [0]>, transpose_lhs_hint = false} : vector<32x128x64xf32>, vector<32x128x64xf32>, vector<32x128x128xf32> -> vector<32x128x128xf32>
    %mul3A = arith.constant 1.250000e-01 : f32
    %mul3A_6 = vector.broadcast %mul3A : f32 to vector<32x128x128xf32>
    %mul3A_7 = arith.mulf %dot_general3A_5, %mul3A_6 : vector<32x128x128xf32>
    %reduce_max3A = arith.constant dense<0xFF800000> : vector<32x128xf32>
    %reduce_max3A_8 = vector.multi_reduction <maximumf>, %mul3A_7, %reduce_max3A [2] : vector<32x128x128xf32> to vector<32x128xf32>
    %broadcast_in_dim3A = vector.shape_cast %reduce_max3A_8 : vector<32x128xf32> to vector<32x128x1xf32>
    %sub3A = vector.broadcast %broadcast_in_dim3A : vector<32x128x1xf32> to vector<32x128x128xf32>
    %sub3A_9 = arith.subf %mul3A_7, %sub3A : vector<32x128x128xf32>
    %exp3A = math.exp %sub3A_9 : vector<32x128x128xf32>
    %reduce_sum3A = arith.constant dense<0.000000e+00> : vector<32x128xf32>
    %reduce_sum3A_10 = vector.multi_reduction <add>, %exp3A, %reduce_sum3A [2] : vector<32x128x128xf32> to vector<32x128xf32>
    %broadcast_in_dim3A_11 = vector.shape_cast %reduce_sum3A_10 : vector<32x128xf32> to vector<32x128x1xf32>
    %div3A = vector.broadcast %broadcast_in_dim3A_11 : vector<32x128x1xf32> to vector<32x128x128xf32>
    %div3A_12 = arith.divf %exp3A, %div3A : vector<32x128x128xf32>
    %dot_general3A_13 = arith.constant dense<0.000000e+00> : vector<32x128x64xf32>
    %dot_general3A_14 = tpu.matmul %div3A_12, %slice3A_4, %dot_general3A_13 {dimension_numbers = #tpu.dot_dimension_numbers<[2], [1], [1], [2], [0, 0, 0, 1, 1, 2], [0], [0]>, transpose_lhs_hint = false} : vector<32x128x128xf32>, vector<32x128x64xf32>, vector<32x128x64xf32> -> vector<32x128x64xf32>
    %broadcast_in_dim3A_15 = arith.constant 0.000000e+00 : f32
    %broadcast_in_dim3A_16 = vector.broadcast %broadcast_in_dim3A_15 : f32 to vector<32x128x64xf32>
    %concatenate3A = tpu.concatenate %dot_general3A_14, %broadcast_in_dim3A_16 in 2 : vector<32x128x64xf32>, vector<32x128x64xf32> -> vector<32x128x128xf32>
    %swap3A = arith.constant 0 : index
    %swap3A_17 = arith.constant 0 : index
    %swap3A_18 = arith.constant 0 : index
    %swap3A_19 = vector.load %arg2[%swap3A, %swap3A_17, %swap3A_18] : memref<32x128x128xf32, #tpu.memory_space<vmem>>, vector<32x128x128xf32>
    tpu.vector_store %arg2[%swap3A, %swap3A_17, %swap3A_18], %concatenate3A {strides = array<i32>} : memref<32x128x128xf32, #tpu.memory_space<vmem>>, vector<32x128x128xf32>,
    return
  }
  func.func @transform_0(%arg0: i32) -> (i32, i32, i32) {
    %c0_i32 = arith.constant 0 : i32
    %c0_i32_0 = arith.constant 0 : i32
    %c0_i32_1 = arith.constant 0 : i32
    return %arg0, %c0_i32, %c0_i32_0 : i32, i32, i32
  }
  func.func @transform_1(%arg0: i32) -> (i32, i32, i32) {
    %c0_i32 = arith.constant 0 : i32
    %c0_i32_0 = arith.constant 0 : i32
    %c0_i32_1 = arith.constant 0 : i32
    return %arg0, %c0_i32, %c0_i32_0 : i32, i32, i32
  }
}

module attributes {stable_mosaic.version = 14 : i64} {
  func.func @_proj_body(%arg0: i32, %arg1: memref<512x1536xf32, #tpu.memory_space<vmem>>, %arg2: memref<1536x768xf32, #tpu.memory_space<vmem>>, %arg3: memref<1x768xf32, #tpu.memory_space<vmem>>, %arg4: memref<512x768xf32, #tpu.memory_space<vmem>>) attributes {dimension_semantics = [#tpu.dimension_semantics<arbitrary>], iteration_bounds = array<i64: 16>, scalar_prefetch = 0 : i64, scratch_operands = 0 : i64, tpu.core_type = #tpu.core_type<tc>, window_params = [{transform_indices = @transform_0, window_bounds = array<i64: 512, 1536>}, {pipeline_mode = #tpu.pipeline_mode<synchronous>, transform_indices = @transform_1, window_bounds = array<i64: 1536, 768>}, {pipeline_mode = #tpu.pipeline_mode<synchronous>, transform_indices = @transform_2, window_bounds = array<i64: 1, 768>}, {transform_indices = @transform_3, window_bounds = array<i64: 512, 768>}]} {
    %get3A = arith.constant 0 : index
    %get3A_0 = arith.constant 0 : index
    %get3A_1 = vector.load %arg1[%get3A, %get3A_0] : memref<512x1536xf32, #tpu.memory_space<vmem>>, vector<512x1536xf32>
    %get3A_2 = arith.constant 0 : index
    %get3A_3 = arith.constant 0 : index
    %get3A_4 = vector.load %arg2[%get3A_2, %get3A_3] : memref<1536x768xf32, #tpu.memory_space<vmem>>, vector<1536x768xf32>
    %dot_general3A = arith.constant dense<0.000000e+00> : vector<512x768xf32>
    %dot_general3A_5 = tpu.matmul %get3A_1, %get3A_4, %dot_general3A {dimension_numbers = #tpu.dot_dimension_numbers<[1], [0], [0], [1], [0, 0, 1, 1], [], []>, transpose_lhs_hint = false} : vector<512x1536xf32>, vector<1536x768xf32>, vector<512x768xf32> -> vector<512x768xf32>
    %get3A_6 = arith.constant 0 : index
    %get3A_7 = arith.constant 0 : index
    %get3A_8 = vector.load %arg3[%get3A_6, %get3A_7] : memref<1x768xf32, #tpu.memory_space<vmem>>, vector<1x768xf32>
    %add3A = vector.broadcast %get3A_8 : vector<1x768xf32> to vector<512x768xf32>
    %add3A_9 = arith.addf %dot_general3A_5, %add3A : vector<512x768xf32>
    %swap3A = arith.constant 0 : index
    %swap3A_10 = arith.constant 0 : index
    %swap3A_11 = vector.load %arg4[%swap3A, %swap3A_10] : memref<512x768xf32, #tpu.memory_space<vmem>>, vector<512x768xf32>
    tpu.vector_store %arg4[%swap3A, %swap3A_10], %add3A_9 {strides = array<i32>} : memref<512x768xf32, #tpu.memory_space<vmem>>, vector<512x768xf32>,
    return
  }
  func.func @transform_0(%arg0: i32) -> (i32, i32) {
    %c0_i32 = arith.constant 0 : i32
    %c0_i32_0 = arith.constant 0 : i32
    return %arg0, %c0_i32 : i32, i32
  }
  func.func @transform_1(%arg0: i32) -> (i32, i32) {
    %c0_i32 = arith.constant 0 : i32
    %c0_i32_0 = arith.constant 0 : i32
    %c0_i32_1 = arith.constant 0 : i32
    return %c0_i32, %c0_i32_0 : i32, i32
  }
  func.func @transform_2(%arg0: i32) -> (i32, i32) {
    %c0_i32 = arith.constant 0 : i32
    %c0_i32_0 = arith.constant 0 : i32
    %c0_i32_1 = arith.constant 0 : i32
    return %c0_i32, %c0_i32_0 : i32, i32
  }
  func.func @transform_3(%arg0: i32) -> (i32, i32) {
    %c0_i32 = arith.constant 0 : i32
    %c0_i32_0 = arith.constant 0 : i32
    return %arg0, %c0_i32 : i32, i32
  }
}

</mosaic_0001>

<sc_bundles>
// kernel: kernel.14.cloned.1.call-start
scs
__scs_entry_jumppad:
0x0: {  	(pc) =	sbr.rel $0x88, $3  }
0x1: {  	(tag) =	ssettag $0x0;
	lr =	simm.s32 $0x1  }
0x2: {  	[smem:$0x3F9C] =	sst lr;
	_ =	strace $0xD0000000  }
0x3: {  	_ = 	snop  }
0x4: {  	_ = 	snop  }
0x5: {  	_ = 	snop  }
0x6: {  	_ = 	snop  }
0x7: {  	_ = 	snop  }
__scs_overlays_trampoline_lowered:
0x8: {  	[smem:$0x3FAB] =	sst s0  }
0x9: {  	[smem:$0x3FAC] =	sst s1  }
0xa: {  	[smem:$0x3FAD] =	sst s2  }
0xb: {  	[smem:$0x3FAE] =	sst s3  }
0xc: {  	[smem:$0x3FAF] =	sst s4  }
0xd: {  	[smem:$0x3FB0] =	sst s5  }
0xe: {  	[smem:$0x3FB1] =	sst s6  }
0xf: {  	[smem:$0x3FB2] =	sst s7  }
0x10: {  	[smem:$0x3FB3] =	sst s8  }
0x11: {  	[smem:$0x3FB4] =	sst s9;
	s0 =	simm.s32 @!p0 $0x0  }
0x12: {  	s1 =	sld [smem:$0x3F9A];
	s0 =	simm.s32 @p0 $0x1  }
0x13: {  	[smem:$0x3FB5] =	sst s0;
	s0 =	simm.s32 @!p1 $0x0  }
0x14: {  	s2 =	sld [smem:$0x3F99];
	s0 =	simm.s32 @p1 $0x1  }
0x15: {  	[smem:$0x3FB6] =	sst s0;
	s0 =	simm.s32 @!p2 $0x0  }
0x16: {  	s3 =	sld [smem:$0x3FDB];
	s0 =	simm.s32 @p2 $0x1  }
0x17: {  	s4 =	simm.s32 $0x1BF5;
	[smem:$0x3FB8] =	sst s0  }
0x18: {  	s0 =	sld [smem:$0x3F9B];
	_ =	swait.ge [sflag:s4], $0x0  }
0x19: {  	s7 =	sld [smem:$0x3F9C]  }
0x1a: {  	s8 =	sadd.s32 $0xFFFFE003, lr  }
0x1b: {  	s9 =	sadd.s32 $0xFFFFFEF7, lr;
	s5 =	simm.s32 $0xFFFFFFFF;
	p2 =	slt.u32 s8, $0xFFFFF086  }
0x1c: {  	p1 =	slt.u32 s9, $0xF7A;
	s5 =	simm.s32 @!p2 $0x0  }
0x1d: {  	s5 =	simm.s32 @p1 $0x1;
	p0 =	seq.s32 s7, s2  }
0x1e: {  	s7 =	smul.u32 @!p0 $0xF7A, s2;
	p2 =	seq.s32 @!p0 s5, $0x0  }
0x1f: {  	s9 =	smul.u32 $0xF7A, s1;
	s8 =	simm.s32 @!p0 $0x1BF5;
	p2 =	por !p2, p0  }
0x20: {  	[sflag:s8] =	ssyncset.s32 @!p0 $0xFFFFF086;
	s6 =	sadd.s32 @!p0 s3, s7;
	s7 =	simm.s32 @!p0 $0x108  }
0x21: {  	s3 =	sadd.s32 s3, s9;
	s6 =	sadd.s32 @!p0 $0x88, s6;
	s7 =	simm.s32 @p2 $0x1082  }
0x22: {  	[simem:s7], [sflag:s8] =	dma.local @!p0 [hbm:s6], $0xF7A  }
0x23: {  	s9 =	sor.u32 $0xD0000000, s2;
	s6 =	simm.s32 $0x108;
	_ =	swait.ge @!p0 [sflag:s8], $0x0  }
0x24: {  	s3 =	sadd.s32 $0x88, s3;
	s6 =	simm.s32 @!p1 $0x1082;
	[sflag:s4] =	ssyncset.s32 $0xFFFFF086  }
0x25: {  	[simem:s6], [sflag:s4] =	dma.local [hbm:s3], $0xF7A  }
0x26: {  	[smem:$0x3F9C] =	sst s1;
	(tag) =	ssettag s2;
	_ =	strace s9  }
0x27: {  	s1 =	sld [smem:$0x3FAC]  }
0x28: {  	s2 =	sld [smem:$0x3FAD]  }
0x29: {  	s4 =	sld [smem:$0x3FAF]  }
0x2a: {  	p0 =	seq.s32 s5, $0x0;
	s5 =	sld [smem:$0x3FB0]  }
0x2b: {  	s6 =	sld [smem:$0x3FB1]  }
0x2c: {  	s7 =	sld [smem:$0x3FB2]  }
0x2d: {  	s3 =	simm.s32 $0x108;
	s8 =	sld [smem:$0x3FB3]  }
0x2e: {  	s3 =	simm.s32 @!p0 $0x1082;
	s9 =	sld [smem:$0x3FB4]  }
0x2f: {  	lr =	sadd.s32 s0, s3;
	s0 =	sld [smem:$0x3FAB]  }
0x30: {  	s3 =	sld [smem:$0x3FAE]  }
0x31: {  	[smem:$0x3FB7] =	sst s10  }
0x32: {  	s10 =	sld [smem:$0x3FB5];
	_ =	sdelay $0x3  }
0x33: {  	p0 =	seq.s32 s10, $0x1;
	s10 =	sld [smem:$0x3FB7];
	_ =	sdelay $0x3  }
0x34: {  	[smem:$0x3FB7] =	sst s10  }
0x35: {  	s10 =	sld [smem:$0x3FB6];
	_ =	sdelay $0x3  }
0x36: {  	p1 =	seq.s32 s10, $0x1;
	s10 =	sld [smem:$0x3FB7];
	_ =	sdelay $0x3  }
0x37: {  	[smem:$0x3FB7] =	sst s10  }
0x38: {  	s10 =	sld [smem:$0x3FB8]  }
0x39: {  	_ = 	snop;
	(pc) =	sbr.ind lr, $3  }
0x3a: {  	_ = 	snop  }
0x3b: {  	_ = 	snop  }
0x3c: {  	p2 =	seq.s32 s10, $0x1;
	s10 =	sld [smem:$0x3FB7]  }
0x3d: {  	_ =	shalt  }
0x3e: {  	_ =	shalt  }
0x3f: {  	_ =	shalt  }
0x40: {  	_ =	shalt  }
0x41: {  	_ =	shalt  }
0x42: {  	_ =	shalt  }
0x43: {  	_ =	shalt  }
0x44: {  	_ =	shalt  }
0x45: {  	_ =	shalt  }
0x46: {  	_ =	shalt  }
0x47: {  	_ =	shalt  }
0x48: {  	_ =	shalt  }
0x49: {  	_ =	shalt  }
0x4a: {  	_ =	shalt  }
0x4b: {  	_ =	shalt  }
0x4c: {  	_ =	shalt  }
0x4d: {  	_ =	shalt  }
0x4e: {  	_ =	shalt  }
0x4f: {  	_ =	shalt  }
0x50: {  	_ =	shalt  }
0x51: {  	_ =	shalt  }
0x52: {  	_ =	shalt  }
0x53: {  	_ =	shalt  }
0x54: {  	_ =	shalt  }
0x55: {  	_ =	shalt  }
0x56: {  	_ =	shalt  }
0x57: {  	_ =	shalt  }
0x58: {  	_ =	shalt  }
0x59: {  	_ =	shalt  }
0x5a: {  	_ =	shalt  }
0x5b: {  	_ =	shalt  }
0x5c: {  	_ =	shalt  }
0x5d: {  	_ =	shalt  }
0x5e: {  	_ =	shalt  }
0x5f: {  	_ =	shalt  }
0x60: {  	_ =	shalt  }
0x61: {  	_ =	shalt  }
0x62: {  	_ =	shalt  }
0x63: {  	_ =	shalt  }
0x64: {  	_ =	shalt  }
0x65: {  	_ =	shalt  }
0x66: {  	_ =	shalt  }
0x67: {  	_ =	shalt  }
0x68: {  	_ =	shalt  }
0x69: {  	_ =	shalt  }
0x6a: {  	_ =	shalt  }
0x6b: {  	_ =	shalt  }
0x6c: {  	_ =	shalt  }
0x6d: {  	_ =	shalt  }
0x6e: {  	_ =	shalt  }
0x6f: {  	_ =	shalt  }
0x70: {  	_ =	shalt  }
0x71: {  	_ =	shalt  }
0x72: {  	_ =	shalt  }
0x73: {  	_ =	shalt  }
0x74: {  	_ =	shalt  }
0x75: {  	_ =	shalt  }
0x76: {  	_ =	shalt  }
0x77: {  	_ =	shalt  }
0x78: {  	_ =	shalt  }
0x79: {  	_ =	shalt  }
0x7a: {  	_ =	shalt  }
0x7b: {  	_ =	shalt  }
0x7c: {  	_ =	shalt  }
0x7d: {  	_ =	shalt  }
0x7e: {  	_ =	shalt  }
0x7f: {  	_ =	shalt  }
0x80: {  	_ =	shalt  }
0x81: {  	_ =	shalt  }
0x82: {  	_ =	shalt  }
0x83: {  	_ =	shalt  }
0x84: {  	_ =	shalt  }
0x85: {  	_ =	shalt  }
0x86: {  	_ =	shalt  }
0x87: {  	_ =	shalt  }
.Lfunc_end0:
.L_simem_size_0:
called_computation_lowered:
.L_overlay_start_0:
0x88: {  	s2 =	sld [smem:$0x3FD9]  }
0x89: {  	s3 =	sld [smem:$0x3FFE];
	_ =	sdelay $0x1  }
0x8a: {  	s1 =	srdreg.scid  }
0x8b: {  	s0 =	sand.u32 $0x1, s1  }
0x8c: {  	s16 =	sshll.u32 s0, $0xA;
	s2 =	sadd.s32 s3, s2  }
0x8d: {  	s2 =	sadd.s32 s2, s16  }
0x8e: {  	[smem:$0x3FC3] =	sst s2  }
0x8f: {  	_ = 	snop  }
0x90: {  	(tm) =	ssettm $0x1  }
0x91: {  	s17 =	sld [smem:$0x3FFB];
	_ =	sdelay $0x3  }
0x92: {  	_ =	strace s17  }
0x93: {  	s2 =	sld [smem:$0x3FFC];
	_ =	sdelay $0x3  }
0x94: {  	_ =	strace s2  }
0x95: {  	s2 =	sld [smem:$0x3FFD];
	_ =	sdelay $0x3  }
0x96: {  	_ =	strace s2  }
0x97: {  	_ =	strace $0x8FFFFFFF  }
0x98: {  	s18 =	sld [smem:$0x3FDB];
	_ =	sdelay $0x1  }
0x99: {  	s19 =	simm.s32 $_scs_section_size  }
0x9a: {  	s4 =	simm.s32 $_size__tile_overlayer_lowered;
	s5 =	simm.s32 $_tile_overlayer_lowered  }
0x9b: {  	s22 =	simm.s32 $0x1BFF;
	s21 =	sshll.u32 s5, $0x1;
	s2 =	sadd.s32 s19, s18  }
0x9c: {  	s6 =	simm.s32 $0x0;
	s20 =	sshll.u32 s4, $0x1;
	s4 =	sadd.s32 s21, s2  }
0x9d: {  	[timem:s6], [sflag:s22] =	dma.local [hbm:s4], s20  }
0x9e: {  	_ =	swait.ge [sflag:s22], s20  }
0x9f: {  	s3 =	ssub.s32 $0x0, s20;
	[sflag:s22] =	ssyncset.done $0x0  }
0xa0: {  	[sflag:s22] =	ssyncadd.s32 s3;
	_ =	sdelay $0x1  }
0xa1: {  	s23 =	simm.s32 $0x1B8B  }
0xa2: {  	_ =	swait.ge [sflag:s23], $0x1  }
0xa3: {  	[sflag:s23] =	ssyncset.done $0x0  }
0xa4: {  	s25 =	simm.s32 $0x1B8E;
	s24 =	sld [smem:$0x3FFE];
	[sflag:s23] =	ssyncadd.s32 $0xFFFFFFFF  }
0xa5: {  	s26 =	simm.s32 $execute0_lowered;
	[smem:$0x3FD2] =	sst s25  }
0xa6: {  	s4 =	sshll.u32 s26, $0x1;
	_ =	strace $0x80000046;
	[dreg:$0x1] =	wrdreg $0xFFFFFFFF  }
0xa7: {  	s28 =	simm.s32 $_size_execute0_lowered;
	s2 =	sadd.s32 s2, s4;
	[dreg:$0x0] =	wrdreg $0x0  }
0xa8: {  	s4 =	sshll.u32 s28, $0x1;
	[dreg:$0x2] =	wrdreg s2  }
0xa9: {  	[dreg:$0x3] =	wrdreg s4  }
0xaa: {  	[dreg:$0x4] =	wrdreg $0xC0  }
0xab: {  	_ =	task [dreg:s6], $0x5FFFF  }
0xac: {  	[dreg:$0x1] =	wrdreg $0xFFFFFFFF  }
0xad: {  	[dreg:$0x0] =	wrdreg $0x60  }
0xae: {  	[dreg:$0x2] =	wrdreg s24  }
0xaf: {  	[dreg:$0x3] =	wrdreg $0x9  }
0xb0: {  	_ =	task.clear_ibuf [dreg:s6], $0x4FFFF;
	_ =	strace $0x90000046  }
0xb1: {  	s29 =	simm.s32 $0x9;
	_ =	strace $0x80000048  }
0xb2: {  	_ =	swait.ge [sflag:s29], $0x1  }
0xb3: {  	[sflag:s29] =	ssyncadd.s32 $0xFFFFFFFF  }
0xb4: {  	_ =	strace $0x90000048  }
0xb5: {  	_ =	sfence  }
0xb6: {  	s30 =	sld [smem:$0x0];
	_ =	sdelay $0x2  }
0xb7: {  	s31 =	sshll.u32 s1, $0xD;
	s1 =	sshrl.u32 s1, $0x2  }
0xb8: {  	s3 =	sand.u32 $0x4000, s31;
	s1 =	sadd.s32 s1, s30  }
0xb9: {  	s0 =	sor.u32 s3, s0;
	s1 =	sshll.u32 s1, $0x11  }
0xba: {  	s0 =	sor.u32 s1, s0  }
0xbb: {  	s0 =	sadd.s32 $0x8F2B, s0  }
0xbc: {  	[sflag:s0] =	ssyncadd.remote.s32 $0x1  }
0xbd: {  	_ =	sfence.sel $0xFFFF  }
0xbe: {  	[dreg:$0x0] =	wrdreg $0xFFFFFFFF;
	(pc) =	sbr.abs _section_cstart, $3  }
0xbf: {  	[dreg:$0x1] =	wrdreg $0xFFFFFFFF  }
0xc0: {  	_ =	task.clear_ibuf [dreg:s6], $0x2FFFF;
	_ =	strace $0x9FFFFFFF  }
0xc1: {  	(tm) =	ssettm $0x7FFFFFFF  }
tec
execute0_lowered:
.L_overlay_start_1:
0x0: {  	(tag) =	ssettag $0x1  }
0x1: {  	s0 =	srdreg.scid  }
0x2: {  	s7 =	stileid.u32;
	s3 =	rddreg [dreg:$0x0]  }
0x3: {  	s2 =	simm.s32 $0x0;
	s13 =	simm.s32 $0x1400;
	s14 =	simm.s32 $0x1C00  }
0x4: {  	s15 =	simm.s32 $0x2400;
	s16 =	simm.s32 $0x2C00;
	[smem:$0x7FF] =	sst s2  }
0x5: {  	s17 =	simm.s32 $0x3400;
	_ =	strace $0x80000047;
	[dreg:$0x4] =	wrdreg s13  }
0x6: {  	s18 =	simm.s32 $0x3C00;
	s19 =	simm.s32 $0x4400;
	[dreg:$0x5] =	wrdreg s14  }
0x7: {  	s21 =	simm.s32 $0x4C00;
	s22 =	simm.s32 $0x5400;
	[dreg:$0x6] =	wrdreg s15  }
0x8: {  	s23 =	simm.s32 $0x5C00;
	s24 =	simm.s32 $0x6400;
	[dreg:$0x7] =	wrdreg s16  }
0x9: {  	s25 =	simm.s32 $0x6C00;
	s26 =	simm.s32 $0x7400;
	[dreg:$0x8] =	wrdreg s17  }
0xa: {  	s8 =	simm.s32 $0x8C00;
	s28 =	simm.s32 $0x10400;
	[dreg:$0x9] =	wrdreg s18  }
0xb: {  	s29 =	simm.s32 $0x3;
	s30 =	simm.s32 $0x4;
	[dreg:$0xa] =	wrdreg s19  }
0xc: {  	s31 =	simm.s32 $0x0;
	s1 =	smul.u32 $0x180000, s7;
	[dreg:$0xb] =	wrdreg s21  }
0xd: {  	s0 =	sand.u32 $0x1, s0;
	s5 =	smul.u32 $0x30000, s7;
	[dreg:$0xc] =	wrdreg s22  }
0xe: {  	s6 =	sadd.s32 $0x6C4A00, s3;
	s10 =	sshll.u32 s7, $0x1;
	[dreg:$0xd] =	wrdreg s23  }
0xf: {  	s7 =	simm.s32 $0xC00;
	s4 =	smul.u32 $0xC0000, s0;
	[dreg:$0xe] =	wrdreg s24  }
0x10: {  	s9 =	smul.u32 $0x18000, s0;
	s12 =	sor.u32 s0, s10;
	[dreg:$0xf] =	wrdreg s25  }
0x11: {  	s0 =	ssub.s32 $0x2, s0;
	[dreg:$0x10] =	wrdreg s26;
	s10 =	simm.s32 $0x7C00  }
0x12: {  	s13 =	simm.s32 $0x9400;
	s14 =	simm.s32 $0x9C00;
	s15 =	simm.s32 $0xA400  }
0x13: {  	s16 =	simm.s32 $0xAC00;
	s17 =	simm.s32 $0xB400;
	s18 =	simm.s32 $0xBC00  }
0x14: {  	s19 =	simm.s32 $0xC400;
	s21 =	simm.s32 $0xD400;
	s22 =	simm.s32 $0xDC00  }
0x15: {  	s23 =	simm.s32 $0xE400;
	s24 =	simm.s32 $0xEC00;
	s25 =	simm.s32 $0xF400  }
0x16: {  	s26 =	simm.s32 $0xFC00;
	s5 =	sadd.s32 s5, s6;
	s20 =	sshrl.u32 s0, $0x1  }
0x17: {  	s1 =	sadd.s32 s4, s1;
	s4 =	sadd.s32 s9, s5;
	s0 =	ssub.s32 s0, s20  }
0x18: {  	s9 =	simm.s32 $0x1;
	s11 =	sadd.s32 $0x1000, s4;
	s4 =	smul.u32 $0xC00, s12  }
0x19: {  	s20 =	simm.s32 $0xCC00;
	s1 =	sshrl.u32 s1, $0x3;
	s0 =	smax.u32 s0, $0x1  }
0x1a: {  	s12 =	simm.s32 $0x2;
	[dreg:$0x3] =	wrdreg s11;
	s4 =	sshrl.u32 s4, $0x3  }
0x1b: {  	v2 =	vlaneseq.u32;
	s1 =	sadd.s32 s1, s6;
	[dreg:$0x12] =	wrdreg s0;
	s4 =	sadd.s32 s4, s3  }
0x1c: {  	vm0 =	vmmov $0xffff;
	v1 =	vshrl.u32 v2, $0x3;
	s6 =	simm.s32 $0x5;
	[dreg:$0x2] =	wrdreg s1;
	s4 =	sadd.s32 $0x4A00, s4  }
0x1d: {  	v0 =	vand.u32 $0x7, v2;
	v2 =	vor.u32 $0x8, v2;
	v1 =	vmul.u32 $0x8, v1;
	s11 =	simm.s32 $0x8400;
	s3 =	sadd.s32 $0x7A00, s3;
	[dreg:$0x11] =	wrdreg s4  }
.LBB2_1:
0x1e: {  	s0 =	rddreg [dreg:$0x11]  }
0x1f: {  	[tilespmem:s2], [sflag:$0x5] =	stream.linear.gather [hbm4b:s0+s2], $0xC00, $0x38;
	[tilespmem:$0x10C00] =	vst v63  }
0x20: {  	_ =	swait.ge [sflag:s6], $0xC00  }
0x21: {  	[sflag:s6] =	ssyncset.done $0x0  }
0x22: {  	s1 =	simm.s32 $0x80;
	s0 =	simm.s32 $0x0;
	[sflag:s6] =	ssyncadd.s32 $0xFFFFF400  }
.LBB2_2:
0x23: {  	s4 =	rddreg [dreg:$0x2]  }
0x24: {  	s5 =	rddreg [dreg:$0x3];
	s4 =	sadd.s32 s0, s4  }
0x25: {  	[tilespmem:s7], [sflag:$0x1] =	stream.linear.gather [hbm4b:s4+s2], $0x8000, $0x38;
	[tilespmem:$0x10C00] =	vst v63  }
0x26: {  	s5 =	sadd.s32 s0, s5  }
0x27: {  	[tilespmem:s8], [sflag:$0x2] =	stream.linear.gather [hbm4b:s5+s2], $0x8000, $0x38;
	[tilespmem:$0x10C00] =	vst v63  }
0x28: {  	_ =	swait.ge [sflag:s9], $0x8000  }
0x29: {  	[sflag:s9] =	ssyncset.done $0x0  }
0x2a: {  	[sflag:s9] =	ssyncadd.s32 $0xFFFF8000  }
0x2b: {  	v3 =	vld [tilespmem:s1+$0xFFFFFF80];
	_ =	sdelay $0x4  }
0x2c: {  	v4 =	vshll.u32 v3, $0x1  }
0x2d: {  	v3 =	vand.u32 $0x7, v3;
	v4 =	vand.u32 $0xFFFFFFF0, v4  }
0x2e: {  	v3 =	vor.u32 v3, v4  }
0x2f: {  	v4 =	vperm.xlane v3, v0;
	_ =	sdelay $0x1  }
0x30: {  	v3 =	vperm.xlane v3, v2;
	v4 =	vadd.s32 v1, v4;
	_ =	sdelay $0x1  }
0x31: {  	v3 =	vadd.s32 v1, v3;
	_ =	sdelay $0x2  }
0x32: {  	[hbm4b:s3+s2] =	stream.indirect_vreg.scatter [tilespmem:s7], [sflag:$0x3], $0x80, v4, vm0, $0xb8;
	[tilespmem:$0x10C00] =	vst v63  }
0x33: {  	s5 =	rddreg [dreg:$0x4]  }
0x34: {  	[hbm4b:s3+s2] =	stream.indirect_vreg.scatter [tilespmem:s5], [sflag:$0x3], $0x80, v3, vm0, $0xb8;
	[tilespmem:$0x10C00] =	vst v63  }
0x35: {  	v3 =	vld [tilespmem:s1+$0xFFFFFF90];
	_ =	sdelay $0x4  }
0x36: {  	v49 =	vshll.u32 v3, $0x1  }
0x37: {  	v3 =	vand.u32 $0x7, v3;
	v4 =	vand.u32 $0xFFFFFFF0, v49  }
0x38: {  	v3 =	vor.u32 v3, v4  }
0x39: {  	v4 =	vperm.xlane v3, v0;
	_ =	sdelay $0x1  }
0x3a: {  	v3 =	vperm.xlane v3, v2;
	v4 =	vadd.s32 v1, v4;
	_ =	sdelay $0x1  }
0x3b: {  	v3 =	vadd.s32 v1, v3;
	_ =	sdelay $0x1  }
0x3c: {  	s4 =	rddreg [dreg:$0x5]  }
0x3d: {  	[hbm4b:s3+s2] =	stream.indirect_vreg.scatter [tilespmem:s4], [sflag:$0x3], $0x80, v4, vm0, $0xb8;
	[tilespmem:$0x10C00] =	vst v63  }
0x3e: {  	s5 =	rddreg [dreg:$0x6]  }
0x3f: {  	[hbm4b:s3+s2] =	stream.indirect_vreg.scatter [tilespmem:s5], [sflag:$0x3], $0x80, v3, vm0, $0xb8;
	[tilespmem:$0x10C00] =	vst v63  }
0x40: {  	v3 =	vld [tilespmem:s1+$0xFFFFFFA0];
	_ =	sdelay $0x4  }
0x41: {  	v50 =	vshll.u32 v3, $0x1  }
0x42: {  	v3 =	vand.u32 $0x7, v3;
	v4 =	vand.u32 $0xFFFFFFF0, v50  }
0x43: {  	v3 =	vor.u32 v3, v4  }
0x44: {  	v4 =	vperm.xlane v3, v0;
	_ =	sdelay $0x1  }
0x45: {  	v3 =	vperm.xlane v3, v2;
	v4 =	vadd.s32 v1, v4;
	_ =	sdelay $0x1  }
0x46: {  	v3 =	vadd.s32 v1, v3;
	_ =	sdelay $0x1  }
0x47: {  	s4 =	rddreg [dreg:$0x7]  }
0x48: {  	[hbm4b:s3+s2] =	stream.indirect_vreg.scatter [tilespmem:s4], [sflag:$0x3], $0x80, v4, vm0, $0xb8;
	[tilespmem:$0x10C00] =	vst v63  }
0x49: {  	s5 =	rddreg [dreg:$0x8]  }
0x4a: {  	[hbm4b:s3+s2] =	stream.indirect_vreg.scatter [tilespmem:s5], [sflag:$0x3], $0x80, v3, vm0, $0xb8;
	[tilespmem:$0x10C00] =	vst v63  }
0x4b: {  	v3 =	vld [tilespmem:s1+$0xFFFFFFB0];
	_ =	sdelay $0x4  }
0x4c: {  	v51 =	vshll.u32 v3, $0x1  }
0x4d: {  	v3 =	vand.u32 $0x7, v3;
	v4 =	vand.u32 $0xFFFFFFF0, v51  }
0x4e: {  	v3 =	vor.u32 v3, v4  }
0x4f: {  	v4 =	vperm.xlane v3, v0;
	_ =	sdelay $0x1  }
0x50: {  	v3 =	vperm.xlane v3, v2;
	v4 =	vadd.s32 v1, v4;
	_ =	sdelay $0x1  }
0x51: {  	v3 =	vadd.s32 v1, v3;
	_ =	sdelay $0x1  }
0x52: {  	s4 =	rddreg [dreg:$0x9]  }
0x53: {  	[hbm4b:s3+s2] =	stream.indirect_vreg.scatter [tilespmem:s4], [sflag:$0x3], $0x80, v4, vm0, $0xb8;
	[tilespmem:$0x10C00] =	vst v63  }
0x54: {  	s5 =	rddreg [dreg:$0xa]  }
0x55: {  	[hbm4b:s3+s2] =	stream.indirect_vreg.scatter [tilespmem:s5], [sflag:$0x3], $0x80, v3, vm0, $0xb8;
	[tilespmem:$0x10C00] =	vst v63  }
0x56: {  	v3 =	vld [tilespmem:s1+$0xFFFFFFC0];
	_ =	sdelay $0x4  }
0x57: {  	v52 =	vshll.u32 v3, $0x1  }
0x58: {  	v3 =	vand.u32 $0x7, v3;
	v4 =	vand.u32 $0xFFFFFFF0, v52  }
0x59: {  	v3 =	vor.u32 v3, v4  }
0x5a: {  	v4 =	vperm.xlane v3, v0;
	_ =	sdelay $0x1  }
0x5b: {  	v3 =	vperm.xlane v3, v2;
	v4 =	vadd.s32 v1, v4;
	_ =	sdelay $0x1  }
0x5c: {  	v3 =	vadd.s32 v1, v3;
	_ =	sdelay $0x1  }
0x5d: {  	s4 =	rddreg [dreg:$0xb]  }
0x5e: {  	[hbm4b:s3+s2] =	stream.indirect_vreg.scatter [tilespmem:s4], [sflag:$0x3], $0x80, v4, vm0, $0xb8;
	[tilespmem:$0x10C00] =	vst v63  }
0x5f: {  	s5 =	rddreg [dreg:$0xc]  }
0x60: {  	[hbm4b:s3+s2] =	stream.indirect_vreg.scatter [tilespmem:s5], [sflag:$0x3], $0x80, v3, vm0, $0xb8;
	[tilespmem:$0x10C00] =	vst v63  }
0x61: {  	v3 =	vld [tilespmem:s1+$0xFFFFFFD0];
	_ =	sdelay $0x4  }
0x62: {  	v53 =	vshll.u32 v3, $0x1  }
0x63: {  	v3 =	vand.u32 $0x7, v3;
	v4 =	vand.u32 $0xFFFFFFF0, v53  }
0x64: {  	v3 =	vor.u32 v3, v4  }
0x65: {  	v4 =	vperm.xlane v3, v0;
	_ =	sdelay $0x1  }
0x66: {  	v3 =	vperm.xlane v3, v2;
	v4 =	vadd.s32 v1, v4;
	_ =	sdelay $0x1  }
0x67: {  	v3 =	vadd.s32 v1, v3;
	_ =	sdelay $0x1  }
0x68: {  	s4 =	rddreg [dreg:$0xd]  }
0x69: {  	[hbm4b:s3+s2] =	stream.indirect_vreg.scatter [tilespmem:s4], [sflag:$0x3], $0x80, v4, vm0, $0xb8;
	[tilespmem:$0x10C00] =	vst v63  }
0x6a: {  	s5 =	rddreg [dreg:$0xe]  }
0x6b: {  	[hbm4b:s3+s2] =	stream.indirect_vreg.scatter [tilespmem:s5], [sflag:$0x3], $0x80, v3, vm0, $0xb8;
	[tilespmem:$0x10C00] =	vst v63  }
0x6c: {  	v3 =	vld [tilespmem:s1+$0xFFFFFFE0];
	_ =	sdelay $0x4  }
0x6d: {  	v54 =	vshll.u32 v3, $0x1  }
0x6e: {  	v3 =	vand.u32 $0x7, v3;
	v4 =	vand.u32 $0xFFFFFFF0, v54  }
0x6f: {  	v3 =	vor.u32 v3, v4  }
0x70: {  	v4 =	vperm.xlane v3, v0;
	_ =	sdelay $0x1  }
0x71: {  	v3 =	vperm.xlane v3, v2;
	v4 =	vadd.s32 v1, v4;
	_ =	sdelay $0x1  }
0x72: {  	v3 =	vadd.s32 v1, v3;
	_ =	sdelay $0x1  }
0x73: {  	s4 =	rddreg [dreg:$0xf]  }
0x74: {  	[hbm4b:s3+s2] =	stream.indirect_vreg.scatter [tilespmem:s4], [sflag:$0x3], $0x80, v4, vm0, $0xb8;
	[tilespmem:$0x10C00] =	vst v63  }
0x75: {  	s5 =	rddreg [dreg:$0x10]  }
0x76: {  	[hbm4b:s3+s2] =	stream.indirect_vreg.scatter [tilespmem:s5], [sflag:$0x3], $0x80, v3, vm0, $0xb8;
	[tilespmem:$0x10C00] =	vst v63  }
0x77: {  	v3 =	vld [tilespmem:s1+$0xFFFFFFF0];
	_ =	sdelay $0x4  }
0x78: {  	v55 =	vshll.u32 v3, $0x1  }
0x79: {  	v3 =	vand.u32 $0x7, v3;
	v4 =	vand.u32 $0xFFFFFFF0, v55  }
0x7a: {  	v3 =	vor.u32 v3, v4  }
0x7b: {  	v4 =	vperm.xlane v3, v0;
	_ =	sdelay $0x1  }
0x7c: {  	v3 =	vperm.xlane v3, v2;
	v4 =	vadd.s32 v1, v4;
	_ =	sdelay $0x1  }
0x7d: {  	v3 =	vadd.s32 v1, v3;
	_ =	sdelay $0x2  }
0x7e: {  	[hbm4b:s3+s2] =	stream.indirect_vreg.scatter [tilespmem:s10], [sflag:$0x3], $0x80, v4, vm0, $0xb8;
	[tilespmem:$0x10C00] =	vst v63  }
0x7f: {  	_ = 	snop  }
0x80: {  	[hbm4b:s3+s2] =	stream.indirect_vreg.scatter [tilespmem:s11], [sflag:$0x3], $0x80, v3, vm0, $0xb8;
	[tilespmem:$0x10C00] =	vst v63  }
0x81: {  	_ =	swait.ge [sflag:s12], $0x8000  }
0x82: {  	[sflag:s12] =	ssyncset.done $0x0  }
0x83: {  	[sflag:s12] =	ssyncadd.s32 $0xFFFF8000  }
0x84: {  	v3 =	vld [tilespmem:s1+$0x0];
	_ =	sdelay $0x4  }
0x85: {  	v56 =	vshll.u32 v3, $0x1  }
0x86: {  	v3 =	vand.u32 $0x7, v3;
	v4 =	vand.u32 $0xFFFFFFF0, v56  }
0x87: {  	v3 =	vor.u32 v3, v4  }
0x88: {  	v4 =	vperm.xlane v3, v0;
	_ =	sdelay $0x1  }
0x89: {  	v3 =	vperm.xlane v3, v2;
	v4 =	vadd.s32 v1, v4;
	_ =	sdelay $0x1  }
0x8a: {  	v3 =	vadd.s32 v1, v3;
	_ =	sdelay $0x2  }
0x8b: {  	[hbm4b:s3+s2] =	stream.indirect_vreg.scatter [tilespmem:s8], [sflag:$0x4], $0x80, v4, vm0, $0xb8;
	[tilespmem:$0x10C00] =	vst v63  }
0x8c: {  	_ = 	snop  }
0x8d: {  	[hbm4b:s3+s2] =	stream.indirect_vreg.scatter [tilespmem:s13], [sflag:$0x4], $0x80, v3, vm0, $0xb8;
	[tilespmem:$0x10C00] =	vst v63  }
0x8e: {  	v3 =	vld [tilespmem:s1+$0x10];
	_ =	sdelay $0x4  }
0x8f: {  	v57 =	vshll.u32 v3, $0x1  }
0x90: {  	v3 =	vand.u32 $0x7, v3;
	v4 =	vand.u32 $0xFFFFFFF0, v57  }
0x91: {  	v3 =	vor.u32 v3, v4  }
0x92: {  	v4 =	vperm.xlane v3, v0;
	_ =	sdelay $0x1  }
0x93: {  	v3 =	vperm.xlane v3, v2;
	v4 =	vadd.s32 v1, v4;
	_ =	sdelay $0x1  }
0x94: {  	v3 =	vadd.s32 v1, v3;
	_ =	sdelay $0x2  }
0x95: {  	[hbm4b:s3+s2] =	stream.indirect_vreg.scatter [tilespmem:s14], [sflag:$0x4], $0x80, v4, vm0, $0xb8;
	[tilespmem:$0x10C00] =	vst v63  }
0x96: {  	_ = 	snop  }
0x97: {  	[hbm4b:s3+s2] =	stream.indirect_vreg.scatter [tilespmem:s15], [sflag:$0x4], $0x80, v3, vm0, $0xb8;
	[tilespmem:$0x10C00] =	vst v63  }
0x98: {  	v3 =	vld [tilespmem:s1+$0x20];
	_ =	sdelay $0x4  }
0x99: {  	v58 =	vshll.u32 v3, $0x1  }
0x9a: {  	v3 =	vand.u32 $0x7, v3;
	v4 =	vand.u32 $0xFFFFFFF0, v58  }
0x9b: {  	v3 =	vor.u32 v3, v4  }
0x9c: {  	v4 =	vperm.xlane v3, v0;
	_ =	sdelay $0x1  }
0x9d: {  	v3 =	vperm.xlane v3, v2;
	v4 =	vadd.s32 v1, v4;
	_ =	sdelay $0x1  }
0x9e: {  	v3 =	vadd.s32 v1, v3;
	_ =	sdelay $0x2  }
0x9f: {  	[hbm4b:s3+s2] =	stream.indirect_vreg.scatter [tilespmem:s16], [sflag:$0x4], $0x80, v4, vm0, $0xb8;
	[tilespmem:$0x10C00] =	vst v63  }
0xa0: {  	_ = 	snop  }
0xa1: {  	[hbm4b:s3+s2] =	stream.indirect_vreg.scatter [tilespmem:s17], [sflag:$0x4], $0x80, v3, vm0, $0xb8;
	[tilespmem:$0x10C00] =	vst v63  }
0xa2: {  	v3 =	vld [tilespmem:s1+$0x30];
	_ =	sdelay $0x4  }
0xa3: {  	v59 =	vshll.u32 v3, $0x1  }
0xa4: {  	v3 =	vand.u32 $0x7, v3;
	v4 =	vand.u32 $0xFFFFFFF0, v59  }
0xa5: {  	v3 =	vor.u32 v3, v4  }
0xa6: {  	v4 =	vperm.xlane v3, v0;
	_ =	sdelay $0x1  }
0xa7: {  	v3 =	vperm.xlane v3, v2;
	v4 =	vadd.s32 v1, v4;
	_ =	sdelay $0x1  }
0xa8: {  	v3 =	vadd.s32 v1, v3;
	_ =	sdelay $0x2  }
0xa9: {  	[hbm4b:s3+s2] =	stream.indirect_vreg.scatter [tilespmem:s18], [sflag:$0x4], $0x80, v4, vm0, $0xb8;
	[tilespmem:$0x10C00] =	vst v63  }
0xaa: {  	_ = 	snop  }
0xab: {  	[hbm4b:s3+s2] =	stream.indirect_vreg.scatter [tilespmem:s19], [sflag:$0x4], $0x80, v3, vm0, $0xb8;
	[tilespmem:$0x10C00] =	vst v63  }
0xac: {  	v3 =	vld [tilespmem:s1+$0x40];
	_ =	sdelay $0x4  }
0xad: {  	v60 =	vshll.u32 v3, $0x1  }
0xae: {  	v3 =	vand.u32 $0x7, v3;
	v4 =	vand.u32 $0xFFFFFFF0, v60  }
0xaf: {  	v3 =	vor.u32 v3, v4  }
0xb0: {  	v4 =	vperm.xlane v3, v0;
	_ =	sdelay $0x1  }
0xb1: {  	v3 =	vperm.xlane v3, v2;
	v4 =	vadd.s32 v1, v4;
	_ =	sdelay $0x1  }
0xb2: {  	v3 =	vadd.s32 v1, v3;
	_ =	sdelay $0x2  }
0xb3: {  	[hbm4b:s3+s2] =	stream.indirect_vreg.scatter [tilespmem:s20], [sflag:$0x4], $0x80, v4, vm0, $0xb8;
	[tilespmem:$0x10C00] =	vst v63  }
0xb4: {  	_ = 	snop  }
0xb5: {  	[hbm4b:s3+s2] =	stream.indirect_vreg.scatter [tilespmem:s21], [sflag:$0x4], $0x80, v3, vm0, $0xb8;
	[tilespmem:$0x10C00] =	vst v63  }
0xb6: {  	v3 =	vld [tilespmem:s1+$0x50];
	_ =	sdelay $0x4  }
0xb7: {  	v61 =	vshll.u32 v3, $0x1  }
0xb8: {  	v3 =	vand.u32 $0x7, v3;
	v4 =	vand.u32 $0xFFFFFFF0, v61  }
0xb9: {  	v3 =	vor.u32 v3, v4  }
0xba: {  	v4 =	vperm.xlane v3, v0;
	_ =	sdelay $0x1  }
0xbb: {  	v3 =	vperm.xlane v3, v2;
	v4 =	vadd.s32 v1, v4;
	_ =	sdelay $0x1  }
0xbc: {  	v3 =	vadd.s32 v1, v3;
	_ =	sdelay $0x2  }
0xbd: {  	[hbm4b:s3+s2] =	stream.indirect_vreg.scatter [tilespmem:s22], [sflag:$0x4], $0x80, v4, vm0, $0xb8;
	[tilespmem:$0x10C00] =	vst v63  }
0xbe: {  	_ = 	snop  }
0xbf: {  	[hbm4b:s3+s2] =	stream.indirect_vreg.scatter [tilespmem:s23], [sflag:$0x4], $0x80, v3, vm0, $0xb8;
	[tilespmem:$0x10C00] =	vst v63  }
0xc0: {  	v3 =	vld [tilespmem:s1+$0x60];
	_ =	sdelay $0x4  }
0xc1: {  	v62 =	vshll.u32 v3, $0x1  }
0xc2: {  	v3 =	vand.u32 $0x7, v3;
	v4 =	vand.u32 $0xFFFFFFF0, v62  }
0xc3: {  	v3 =	vor.u32 v3, v4  }
0xc4: {  	v4 =	vperm.xlane v3, v0;
	_ =	sdelay $0x1  }
0xc5: {  	v3 =	vperm.xlane v3, v2;
	v4 =	vadd.s32 v1, v4;
	_ =	sdelay $0x1  }
0xc6: {  	v3 =	vadd.s32 v1, v3;
	_ =	sdelay $0x2  }
0xc7: {  	[hbm4b:s3+s2] =	stream.indirect_vreg.scatter [tilespmem:s24], [sflag:$0x4], $0x80, v4, vm0, $0xb8;
	[tilespmem:$0x10C00] =	vst v63  }
0xc8: {  	_ = 	snop  }
0xc9: {  	[hbm4b:s3+s2] =	stream.indirect_vreg.scatter [tilespmem:s25], [sflag:$0x4], $0x80, v3, vm0, $0xb8;
	[tilespmem:$0x10C00] =	vst v63  }
0xca: {  	v3 =	vld [tilespmem:s1+$0x70];
	_ =	sdelay $0x4  }
0xcb: {  	v63 =	vshll.u32 v3, $0x1  }
0xcc: {  	v3 =	vand.u32 $0x7, v3;
	v4 =	vand.u32 $0xFFFFFFF0, v63  }
0xcd: {  	v3 =	vor.u32 v3, v4  }
0xce: {  	v4 =	vperm.xlane v3, v0;
	_ =	sdelay $0x1  }
0xcf: {  	v3 =	vperm.xlane v3, v2;
	v4 =	vadd.s32 v1, v4;
	_ =	sdelay $0x1  }
0xd0: {  	v3 =	vadd.s32 v1, v3;
	_ =	sdelay $0x2  }
0xd1: {  	[hbm4b:s3+s2] =	stream.indirect_vreg.scatter [tilespmem:s26], [sflag:$0x4], $0x80, v4, vm0, $0xb8;
	[tilespmem:$0x10C00] =	vst v63  }
0xd2: {  	_ = 	snop  }
0xd3: {  	[hbm4b:s3+s2] =	stream.indirect_vreg.scatter [tilespmem:s28], [sflag:$0x4], $0x80, v3, vm0, $0xb8;
	[tilespmem:$0x10C00] =	vst v63  }
0xd4: {  	p0 =	sne.s32 s0, $0x16000;
	_ =	swait.ge [sflag:s29], $0x8000  }
.Ltmp0:
0xd5: {  	[sflag:s29] =	ssyncset.done $0x0;
	(pc) =	sbr.rel @p0 .LBB2_2-.Ltmp0, $4  }
0xd6: {  	[sflag:s29] =	ssyncadd.s32 $0xFFFF8000  }
0xd7: {  	_ =	swait.ge [sflag:s30], $0x8000  }
0xd8: {  	[sflag:s30] =	ssyncset.done $0x0  }
0xd9: {  	s0 =	sadd.s32 $0x2000, s0;
	s1 =	sadd.s32 $0x100, s1;
	[sflag:s30] =	ssyncadd.s32 $0xFFFF8000  }
0xda: {  	s31 =	sadd.s32 $0x1, s31;
	s0 =	rddreg [dreg:$0x12]  }
0xdb: {  	p0 =	sne.s32 s31, s0  }
.Ltmp1:
0xdc: {  	_ = 	snop;
	(pc) =	sbr.rel @p0 .LBB2_1-.Ltmp1, $1  }
0xdd: {  	_ =	sdelay $0x3  }
0xde: {  	_ =	sfence.sel $0x180000  }
0xdf: {  	[bflag:$0x0] =	sbarrier.arrive $0xFFFF  }
0xe0: {  	_ =	strace $0x90000047  }
0xe1: {  	s0 =	stileid.u32;
	[bflag:$0x2] =	sbarrier.arrive $0xFFFF  }
0xe2: {  	p0 =	sne.s32 s0, $0x0;
	s0 =	rddreg [dreg:$0x1]  }
0xe3: {  	s0 =	sadd.s32 @!p0 $0x100000, s0  }
0xe4: {  	[sflag:s0] =	ssyncadd.tile.s32 @!p0 $0x1;
	_ =	shalt  }
.Lfunc_end2:
_tile_overlayer_lowered:
.L_overlay_start_2:
0xe5: {  	(tag) =	ssettag $0x2  }
0xe6: {  	s0 =	rddreg [dreg:$0x0];
	s2 =	stileid.u32  }
0xe7: {  	s1 =	rddreg [dreg:$0x1];
	p0 =	sne.s32 s2, $0x0  }
0xe8: {  	s3 =	rddreg [dreg:$0x2];
	[bflag:$0x3] =	sbarrier.arrive $0xFFFF;
	s2 =	simm.s32 @!p0 $0x1C05  }
0xe9: {  	[timem:s3], [sflag:s2] =	dma.local @!p0 [hbm:s0], s1  }
0xea: {  	s0 =	simm.s32 @!p0 $0x5  }
0xeb: {  	_ =	swait.ge @!p0 [sflag:s0], s1  }
0xec: {  	s1 =	ssub.s32 @!p0 $0x0, s1;
	[sflag:s0] =	ssyncset.done @!p0 $0x0  }
0xed: {  	[sflag:s0] =	ssyncadd.s32 @!p0 s1  }
0xee: {  	[bflag:$0x3] =	sbarrier.arrive $0xFFFF  }
0xef: {  	_ =	shalt  }

// kernel: kernel.17.cloned.1.call-start
scs
__scs_entry_jumppad:
0x0: {  	(pc) =	sbr.rel $0x88, $3  }
0x1: {  	(tag) =	ssettag $0x0;
	lr =	simm.s32 $0x1  }
0x2: {  	[smem:$0x3F9C] =	sst lr;
	_ =	strace $0xD0000000  }
0x3: {  	_ = 	snop  }
0x4: {  	_ = 	snop  }
0x5: {  	_ = 	snop  }
0x6: {  	_ = 	snop  }
0x7: {  	_ = 	snop  }
__scs_overlays_trampoline_lowered:
0x8: {  	[smem:$0x3FAB] =	sst s0  }
0x9: {  	[smem:$0x3FAC] =	sst s1  }
0xa: {  	[smem:$0x3FAD] =	sst s2  }
0xb: {  	[smem:$0x3FAE] =	sst s3  }
0xc: {  	[smem:$0x3FAF] =	sst s4  }
0xd: {  	[smem:$0x3FB0] =	sst s5  }
0xe: {  	[smem:$0x3FB1] =	sst s6  }
0xf: {  	[smem:$0x3FB2] =	sst s7  }
0x10: {  	[smem:$0x3FB3] =	sst s8  }
0x11: {  	[smem:$0x3FB4] =	sst s9;
	s0 =	simm.s32 @!p0 $0x0  }
0x12: {  	s1 =	sld [smem:$0x3F9A];
	s0 =	simm.s32 @p0 $0x1  }
0x13: {  	[smem:$0x3FB5] =	sst s0;
	s0 =	simm.s32 @!p1 $0x0  }
0x14: {  	s2 =	sld [smem:$0x3F99];
	s0 =	simm.s32 @p1 $0x1  }
0x15: {  	[smem:$0x3FB6] =	sst s0;
	s0 =	simm.s32 @!p2 $0x0  }
0x16: {  	s3 =	sld [smem:$0x3FDB];
	s0 =	simm.s32 @p2 $0x1  }
0x17: {  	s4 =	simm.s32 $0x1BF5;
	[smem:$0x3FB8] =	sst s0  }
0x18: {  	s0 =	sld [smem:$0x3F9B];
	_ =	swait.ge [sflag:s4], $0x0  }
0x19: {  	s7 =	sld [smem:$0x3F9C]  }
0x1a: {  	s8 =	sadd.s32 $0xFFFFE003, lr  }
0x1b: {  	s9 =	sadd.s32 $0xFFFFFEF7, lr;
	s5 =	simm.s32 $0xFFFFFFFF;
	p2 =	slt.u32 s8, $0xFFFFF086  }
0x1c: {  	p1 =	slt.u32 s9, $0xF7A;
	s5 =	simm.s32 @!p2 $0x0  }
0x1d: {  	s5 =	simm.s32 @p1 $0x1;
	p0 =	seq.s32 s7, s2  }
0x1e: {  	s7 =	smul.u32 @!p0 $0xF7A, s2;
	p2 =	seq.s32 @!p0 s5, $0x0  }
0x1f: {  	s9 =	smul.u32 $0xF7A, s1;
	s8 =	simm.s32 @!p0 $0x1BF5;
	p2 =	por !p2, p0  }
0x20: {  	[sflag:s8] =	ssyncset.s32 @!p0 $0xFFFFF086;
	s6 =	sadd.s32 @!p0 s3, s7;
	s7 =	simm.s32 @!p0 $0x108  }
0x21: {  	s3 =	sadd.s32 s3, s9;
	s6 =	sadd.s32 @!p0 $0x88, s6;
	s7 =	simm.s32 @p2 $0x1082  }
0x22: {  	[simem:s7], [sflag:s8] =	dma.local @!p0 [hbm:s6], $0xF7A  }
0x23: {  	s9 =	sor.u32 $0xD0000000, s2;
	s6 =	simm.s32 $0x108;
	_ =	swait.ge @!p0 [sflag:s8], $0x0  }
0x24: {  	s3 =	sadd.s32 $0x88, s3;
	s6 =	simm.s32 @!p1 $0x1082;
	[sflag:s4] =	ssyncset.s32 $0xFFFFF086  }
0x25: {  	[simem:s6], [sflag:s4] =	dma.local [hbm:s3], $0xF7A  }
0x26: {  	[smem:$0x3F9C] =	sst s1;
	(tag) =	ssettag s2;
	_ =	strace s9  }
0x27: {  	s1 =	sld [smem:$0x3FAC]  }
0x28: {  	s2 =	sld [smem:$0x3FAD]  }
0x29: {  	s4 =	sld [smem:$0x3FAF]  }
0x2a: {  	p0 =	seq.s32 s5, $0x0;
	s5 =	sld [smem:$0x3FB0]  }
0x2b: {  	s6 =	sld [smem:$0x3FB1]  }
0x2c: {  	s7 =	sld [smem:$0x3FB2]  }
0x2d: {  	s3 =	simm.s32 $0x108;
	s8 =	sld [smem:$0x3FB3]  }
0x2e: {  	s3 =	simm.s32 @!p0 $0x1082;
	s9 =	sld [smem:$0x3FB4]  }
0x2f: {  	lr =	sadd.s32 s0, s3;
	s0 =	sld [smem:$0x3FAB]  }
0x30: {  	s3 =	sld [smem:$0x3FAE]  }
0x31: {  	[smem:$0x3FB7] =	sst s10  }
0x32: {  	s10 =	sld [smem:$0x3FB5];
	_ =	sdelay $0x3  }
0x33: {  	p0 =	seq.s32 s10, $0x1;
	s10 =	sld [smem:$0x3FB7];
	_ =	sdelay $0x3  }
0x34: {  	[smem:$0x3FB7] =	sst s10  }
0x35: {  	s10 =	sld [smem:$0x3FB6];
	_ =	sdelay $0x3  }
0x36: {  	p1 =	seq.s32 s10, $0x1;
	s10 =	sld [smem:$0x3FB7];
	_ =	sdelay $0x3  }
0x37: {  	[smem:$0x3FB7] =	sst s10  }
0x38: {  	s10 =	sld [smem:$0x3FB8]  }
0x39: {  	_ = 	snop;
	(pc) =	sbr.ind lr, $3  }
0x3a: {  	_ = 	snop  }
0x3b: {  	_ = 	snop  }
0x3c: {  	p2 =	seq.s32 s10, $0x1;
	s10 =	sld [smem:$0x3FB7]  }
0x3d: {  	_ =	shalt  }
0x3e: {  	_ =	shalt  }
0x3f: {  	_ =	shalt  }
0x40: {  	_ =	shalt  }
0x41: {  	_ =	shalt  }
0x42: {  	_ =	shalt  }
0x43: {  	_ =	shalt  }
0x44: {  	_ =	shalt  }
0x45: {  	_ =	shalt  }
0x46: {  	_ =	shalt  }
0x47: {  	_ =	shalt  }
0x48: {  	_ =	shalt  }
0x49: {  	_ =	shalt  }
0x4a: {  	_ =	shalt  }
0x4b: {  	_ =	shalt  }
0x4c: {  	_ =	shalt  }
0x4d: {  	_ =	shalt  }
0x4e: {  	_ =	shalt  }
0x4f: {  	_ =	shalt  }
0x50: {  	_ =	shalt  }
0x51: {  	_ =	shalt  }
0x52: {  	_ =	shalt  }
0x53: {  	_ =	shalt  }
0x54: {  	_ =	shalt  }
0x55: {  	_ =	shalt  }
0x56: {  	_ =	shalt  }
0x57: {  	_ =	shalt  }
0x58: {  	_ =	shalt  }
0x59: {  	_ =	shalt  }
0x5a: {  	_ =	shalt  }
0x5b: {  	_ =	shalt  }
0x5c: {  	_ =	shalt  }
0x5d: {  	_ =	shalt  }
0x5e: {  	_ =	shalt  }
0x5f: {  	_ =	shalt  }
0x60: {  	_ =	shalt  }
0x61: {  	_ =	shalt  }
0x62: {  	_ =	shalt  }
0x63: {  	_ =	shalt  }
0x64: {  	_ =	shalt  }
0x65: {  	_ =	shalt  }
0x66: {  	_ =	shalt  }
0x67: {  	_ =	shalt  }
0x68: {  	_ =	shalt  }
0x69: {  	_ =	shalt  }
0x6a: {  	_ =	shalt  }
0x6b: {  	_ =	shalt  }
0x6c: {  	_ =	shalt  }
0x6d: {  	_ =	shalt  }
0x6e: {  	_ =	shalt  }
0x6f: {  	_ =	shalt  }
0x70: {  	_ =	shalt  }
0x71: {  	_ =	shalt  }
0x72: {  	_ =	shalt  }
0x73: {  	_ =	shalt  }
0x74: {  	_ =	shalt  }
0x75: {  	_ =	shalt  }
0x76: {  	_ =	shalt  }
0x77: {  	_ =	shalt  }
0x78: {  	_ =	shalt  }
0x79: {  	_ =	shalt  }
0x7a: {  	_ =	shalt  }
0x7b: {  	_ =	shalt  }
0x7c: {  	_ =	shalt  }
0x7d: {  	_ =	shalt  }
0x7e: {  	_ =	shalt  }
0x7f: {  	_ =	shalt  }
0x80: {  	_ =	shalt  }
0x81: {  	_ =	shalt  }
0x82: {  	_ =	shalt  }
0x83: {  	_ =	shalt  }
0x84: {  	_ =	shalt  }
0x85: {  	_ =	shalt  }
0x86: {  	_ =	shalt  }
0x87: {  	_ =	shalt  }
.Lfunc_end0:
.L_simem_size_0:
called_computation.1_lowered:
.L_overlay_start_0:
0x88: {  	s2 =	sld [smem:$0x3FD9]  }
0x89: {  	s3 =	sld [smem:$0x3FFE];
	_ =	sdelay $0x1  }
0x8a: {  	s1 =	srdreg.scid  }
0x8b: {  	s0 =	sand.u32 $0x1, s1  }
0x8c: {  	s17 =	sshll.u32 s0, $0xA;
	s2 =	sadd.s32 s3, s2  }
0x8d: {  	s2 =	sadd.s32 s2, s17  }
0x8e: {  	[smem:$0x3FC3] =	sst s2  }
0x8f: {  	_ = 	snop  }
0x90: {  	(tm) =	ssettm $0x1  }
0x91: {  	s18 =	sld [smem:$0x3FFB];
	_ =	sdelay $0x3  }
0x92: {  	_ =	strace s18  }
0x93: {  	s2 =	sld [smem:$0x3FFC];
	_ =	sdelay $0x3  }
0x94: {  	_ =	strace s2  }
0x95: {  	s2 =	sld [smem:$0x3FFD];
	_ =	sdelay $0x3  }
0x96: {  	_ =	strace s2  }
0x97: {  	_ =	strace $0x8FFFFFFF  }
0x98: {  	s19 =	sld [smem:$0x3FDB];
	_ =	sdelay $0x1  }
0x99: {  	s20 =	simm.s32 $_scs_section_size  }
0x9a: {  	s4 =	simm.s32 $_size__tile_overlayer_lowered;
	s5 =	simm.s32 $_tile_overlayer_lowered  }
0x9b: {  	s6 =	simm.s32 $0x1BFF;
	s21 =	sshll.u32 s5, $0x1;
	s3 =	sadd.s32 s20, s19  }
0x9c: {  	s22 =	simm.s32 $0x0;
	s4 =	sshll.u32 s4, $0x1;
	s5 =	sadd.s32 s21, s3  }
0x9d: {  	[timem:s22], [sflag:s6] =	dma.local [hbm:s5], s4  }
0x9e: {  	_ =	swait.ge [sflag:s6], s4  }
0x9f: {  	s4 =	ssub.s32 $0x0, s4;
	[sflag:s6] =	ssyncset.done $0x0  }
0xa0: {  	[sflag:s6] =	ssyncadd.s32 s4;
	_ =	sdelay $0x1  }
0xa1: {  	s23 =	simm.s32 $0x1B8B  }
0xa2: {  	_ =	swait.ge [sflag:s23], $0x1  }
0xa3: {  	[sflag:s23] =	ssyncset.done $0x0  }
0xa4: {  	[sflag:s23] =	ssyncadd.s32 $0xFFFFFFFF  }
0xa5: {  	s4 =	sld [smem:$0x0]  }
0xa6: {  	s5 =	sand.u32 $0xFFFFFFFE, s1  }
0xa7: {  	p0 =	sne.s32 s1, s5  }
0xa8: {  	s5 =	sshll.u32 @p0 s5, $0xE  }
0xa9: {  	s5 =	sadd.s32 @p0 $0x11B8D, s5;
	s6 =	sshll.u32 @p0 s4, $0x11  }
0xaa: {  	s5 =	sor.u32 @p0 s6, s5  }
0xab: {  	[sflag:s5] =	ssyncadd.remote.s32 @p0 $0x1;
	_ =	sdelay $0x1  }
0xac: {  	s5 =	simm.s32 @p0 $0x1B8D  }
0xad: {  	_ =	swait.eq @p0 [sflag:s5], $0x1  }
0xae: {  	[sflag:s5] =	ssyncadd.s32 @p0 $0xFFFFFFFF  }
0xaf: {  	s6 =	sshll.u32 @!p0 s1, $0xE  }
0xb0: {  	s6 =	sor.u32 @!p0 $0x4000, s6;
	s5 =	simm.s32 @!p0 $0x1B8D  }
0xb1: {  	s4 =	sshll.u32 @!p0 s4, $0x11;
	s6 =	sadd.s32 @!p0 $0x11B8D, s6;
	_ =	swait.eq @!p0 [sflag:s5], $0x1  }
0xb2: {  	s4 =	sor.u32 @!p0 s4, s6;
	[sflag:s5] =	ssyncadd.s32 @!p0 $0xFFFFFFFF  }
0xb3: {  	s25 =	simm.s32 $0x1B8E;
	s24 =	sld [smem:$0x3FFE];
	[sflag:s4] =	ssyncadd.remote.s32 @!p0 $0x1  }
0xb4: {  	s26 =	simm.s32 $execute0_lowered;
	[smem:$0x3FD2] =	sst s25  }
0xb5: {  	s5 =	sshll.u32 s26, $0x1;
	_ =	strace $0x8000004C;
	[dreg:$0x1] =	wrdreg $0xFFFFFFFF  }
0xb6: {  	s28 =	simm.s32 $_size_execute0_lowered;
	s3 =	sadd.s32 s3, s5;
	[dreg:$0x0] =	wrdreg $0x0  }
0xb7: {  	s5 =	sshll.u32 s28, $0x1;
	[dreg:$0x2] =	wrdreg s3  }
0xb8: {  	[dreg:$0x3] =	wrdreg s5  }
0xb9: {  	[dreg:$0x4] =	wrdreg $0xC0  }
0xba: {  	_ =	task [dreg:s22], $0x5FFFF  }
0xbb: {  	[dreg:$0x1] =	wrdreg $0xFFFFFFFF  }
0xbc: {  	[dreg:$0x0] =	wrdreg $0x60  }
0xbd: {  	[dreg:$0x2] =	wrdreg s24  }
0xbe: {  	[dreg:$0x3] =	wrdreg $0x9  }
0xbf: {  	_ =	task.clear_ibuf [dreg:s22], $0x4FFFF;
	_ =	strace $0x9000004C  }
0xc0: {  	s29 =	simm.s32 $0x9;
	_ =	strace $0x8000004E  }
0xc1: {  	_ =	swait.ge [sflag:s29], $0x1  }
0xc2: {  	[sflag:s29] =	ssyncadd.s32 $0xFFFFFFFF  }
0xc3: {  	_ =	strace $0x9000004E  }
0xc4: {  	_ =	sfence  }
0xc5: {  	s30 =	sld [smem:$0x0];
	_ =	sdelay $0x2  }
0xc6: {  	s31 =	sshll.u32 s1, $0xD;
	s1 =	sshrl.u32 s1, $0x2  }
0xc7: {  	s4 =	sand.u32 $0x4000, s31;
	s1 =	sadd.s32 s1, s30  }
0xc8: {  	s0 =	sor.u32 s4, s0;
	s1 =	sshll.u32 s1, $0x11  }
0xc9: {  	s0 =	sor.u32 s1, s0  }
0xca: {  	s0 =	sadd.s32 $0x8F2B, s0  }
0xcb: {  	[sflag:s0] =	ssyncadd.remote.s32 $0x1  }
0xcc: {  	_ =	sfence.sel $0xFFFF  }
0xcd: {  	[dreg:$0x0] =	wrdreg $0xFFFFFFFF;
	(pc) =	sbr.abs _section_cstart, $3  }
0xce: {  	[dreg:$0x1] =	wrdreg $0xFFFFFFFF  }
0xcf: {  	_ =	task.clear_ibuf [dreg:s22], $0x2FFFF;
	_ =	strace $0x9FFFFFFF  }
0xd0: {  	(tm) =	ssettm $0x7FFFFFFF  }
0xd1: {  	_ =	shalt  }
tec
execute0_lowered:
.L_overlay_start_1:
0x0: {  	(tag) =	ssettag $0x1  }
0x1: {  	s1 =	srdreg.scid  }
0x2: {  	s0 =	stileid.u32;
	s4 =	rddreg [dreg:$0x0]  }
0x3: {  	s2 =	simm.s32 $0x0;
	s12 =	simm.s32 $0x1;
	s13 =	simm.s32 $0x2  }
0x4: {  	s14 =	simm.s32 $0x3;
	s15 =	simm.s32 $0x4;
	s16 =	simm.s32 $0x0  }
0x5: {  	s5 =	sand.u32 $0x1, s1;
	s1 =	rddreg [dreg:$0x1];
	s7 =	smul.u32 $0xC0000, s0  }
0x6: {  	s3 =	sshll.u32 s0, $0x1;
	[smem:$0x7FF] =	sst s2;
	s10 =	smul.u32 $0x18000, s0  }
0x7: {  	s11 =	sadd.s32 $0x78AA00, s4;
	s3 =	sor.u32 s5, s3;
	s8 =	smul.u32 $0x60000, s5  }
0x8: {  	_ =	strace $0x8000004D;
	s9 =	ssub.s32 $0x2, s5;
	s5 =	smul.u32 $0xC000, s5  }
0x9: {  	s6 =	smul.u32 $0xC00, s3;
	s3 =	sadd.s32 $0x60AA00, s4;
	s28 =	sshrl.u32 s9, $0x1  }
0xa: {  	s29 =	sadd.s32 s10, s11;
	s10 =	simm.s32 $0xC00;
	s9 =	ssub.s32 s9, s28  }
0xb: {  	s7 =	sadd.s32 s8, s7;
	s31 =	sadd.s32 s5, s29;
	s8 =	simm.s32 $0x5  }
0xc: {  	s6 =	sshrl.u32 s6, $0x3;
	s30 =	sshrl.u32 s7, $0x3;
	s5 =	smax.u32 s9, $0x1  }
0xd: {  	s7 =	sadd.s32 $0x800, s31;
	s9 =	simm.s32 $0x80;
	s6 =	sadd.s32 s6, s4  }
0xe: {  	s4 =	sadd.s32 $0x4A00, s6;
	s6 =	sadd.s32 s30, s11;
	s11 =	simm.s32 $0x4C00  }
.LBB2_1:
0xf: {  	[tilespmem:s2], [sflag:$0x5] =	stream.linear.gather [hbm4b:s4+s2], $0xC00, $0x38;
	[tilespmem:$0x8C00] =	vst v63  }
0x10: {  	_ =	swait.ge [sflag:s8], $0xC00  }
0x11: {  	[sflag:s8] =	ssyncset.done $0x0  }
0x12: {  	[sflag:s8] =	ssyncadd.s32 $0xFFFFF400  }
0x13: {  	[tilespmem:s10], [sflag:$0x1] =	stream.indirect.gather [hbm4b:s3+s9], $0x80, s2, s9, $0xb8;
	[tilespmem:$0x8C00] =	vst v63  }
0x14: {  	s17 =	simm.s32 $0x80  }
0x15: {  	[tilespmem:s11], [sflag:$0x2] =	stream.indirect.gather [hbm4b:s3+s9], $0x80, s17, s9, $0xb8;
	[tilespmem:$0x8C00] =	vst v63  }
0x16: {  	_ =	swait.ge [sflag:s12], $0x4000  }
0x17: {  	[sflag:s12] =	ssyncset.done $0x0  }
0x18: {  	s30 =	sadd.s32 $0x0, s6;
	[sflag:s12] =	ssyncadd.s32 $0xFFFFC000  }
0x19: {  	[hbm4b:s30+s2] =	stream.linear.scatter [tilespmem:s10], [sflag:$0x3], $0x4000, $0x38;
	[tilespmem:$0x8C00] =	vst v63  }
0x1a: {  	_ =	swait.ge [sflag:s13], $0x4000  }
0x1b: {  	[sflag:s13] =	ssyncset.done $0x0  }
0x1c: {  	s31 =	sadd.s32 $0x0, s7;
	[sflag:s13] =	ssyncadd.s32 $0xFFFFC000  }
0x1d: {  	[hbm4b:s31+s2] =	stream.linear.scatter [tilespmem:s11], [sflag:$0x4], $0x4000, $0x38;
	[tilespmem:$0x8C00] =	vst v63  }
0x1e: {  	_ =	swait.ge [sflag:s14], $0x4000  }
0x1f: {  	[sflag:s14] =	ssyncset.done $0x0  }
0x20: {  	[sflag:s14] =	ssyncadd.s32 $0xFFFFC000  }
0x21: {  	_ =	swait.ge [sflag:s15], $0x4000  }
0x22: {  	s18 =	simm.s32 $0x0;
	s17 =	simm.s32 $0x1000;
	[sflag:s15] =	ssyncset.done $0x0  }
.LBB2_2:
0x23: {  	p0 =	sne.s32 s17, $0xB000;
	[sflag:s15] =	ssyncadd.s32 $0xFFFFC000;
	s18 =	sadd.s32 $0x100, s18  }
0x24: {  	[tilespmem:s10], [sflag:$0x1] =	stream.indirect.gather [hbm4b:s3+s9], $0x80, s18, s9, $0xb8;
	[tilespmem:$0x8C00] =	vst v63  }
0x25: {  	s20 =	smov.u32 s17;
	s17 =	sadd.s32 $0x1000, s17;
	s19 =	sadd.s32 $0x80, s18  }
0x26: {  	[tilespmem:s11], [sflag:$0x2] =	stream.indirect.gather [hbm4b:s3+s9], $0x80, s19, s9, $0xb8;
	[tilespmem:$0x8C00] =	vst v63  }
0x27: {  	_ =	swait.ge [sflag:s12], $0x4000  }
0x28: {  	[sflag:s12] =	ssyncset.done $0x0  }
0x29: {  	s19 =	sadd.s32 s20, s6;
	[sflag:s12] =	ssyncadd.s32 $0xFFFFC000  }
0x2a: {  	[hbm4b:s19+s2] =	stream.linear.scatter [tilespmem:s10], [sflag:$0x3], $0x4000, $0x38;
	[tilespmem:$0x8C00] =	vst v63  }
0x2b: {  	_ =	swait.ge [sflag:s13], $0x4000  }
0x2c: {  	[sflag:s13] =	ssyncset.done $0x0  }
0x2d: {  	s19 =	sadd.s32 s20, s7;
	[sflag:s13] =	ssyncadd.s32 $0xFFFFC000  }
0x2e: {  	[hbm4b:s19+s2] =	stream.linear.scatter [tilespmem:s11], [sflag:$0x4], $0x4000, $0x38;
	[tilespmem:$0x8C00] =	vst v63  }
.Ltmp0:
0x2f: {  	_ =	swait.ge [sflag:s14], $0x4000;
	(pc) =	sbr.rel @p0 .LBB2_2-.Ltmp0, $4  }
0x30: {  	[sflag:s14] =	ssyncset.done $0x0  }
0x31: {  	[sflag:s14] =	ssyncadd.s32 $0xFFFFC000  }
0x32: {  	_ =	swait.ge [sflag:s15], $0x4000  }
0x33: {  	[sflag:s15] =	ssyncset.done $0x0  }
0x34: {  	s16 =	sadd.s32 $0x1, s16  }
0x35: {  	p0 =	sne.s32 s16, s5  }
.Ltmp1:
0x36: {  	_ = 	snop;
	(pc) =	sbr.rel @p0 .LBB2_1-.Ltmp1, $2  }
0x37: {  	_ =	sdelay $0x2  }
0x38: {  	[sflag:s15] =	ssyncadd.s32 $0xFFFFC000  }
0x39: {  	_ =	sfence.sel $0x180000  }
0x3a: {  	[bflag:$0x0] =	sbarrier.arrive $0xFFFF  }
0x3b: {  	p0 =	sne.s32 s0, $0x0;
	_ =	strace $0x9000004D  }
0x3c: {  	s0 =	sadd.s32 @!p0 $0x100000, s1;
	[bflag:$0x2] =	sbarrier.arrive $0xFFFF  }
0x3d: {  	[sflag:s0] =	ssyncadd.tile.s32 @!p0 $0x1;
	_ =	shalt  }
.Lfunc_end2:
_tile_overlayer_lowered:
.L_overlay_start_2:
0x3e: {  	(tag) =	ssettag $0x2  }
0x3f: {  	s0 =	rddreg [dreg:$0x0];
	s2 =	stileid.u32  }
0x40: {  	s1 =	rddreg [dreg:$0x1];
	p0 =	sne.s32 s2, $0x0  }
0x41: {  	s3 =	rddreg [dreg:$0x2];
	[bflag:$0x3] =	sbarrier.arrive $0xFFFF;
	s2 =	simm.s32 @!p0 $0x1C05  }
0x42: {  	[timem:s3], [sflag:s2] =	dma.local @!p0 [hbm:s0], s1  }
0x43: {  	s0 =	simm.s32 @!p0 $0x5  }
0x44: {  	_ =	swait.ge @!p0 [sflag:s0], s1  }
0x45: {  	s1 =	ssub.s32 @!p0 $0x0, s1;
	[sflag:s0] =	ssyncset.done @!p0 $0x0  }
0x46: {  	[sflag:s0] =	ssyncadd.s32 @!p0 s1  }
0x47: {  	[bflag:$0x3] =	sbarrier.arrive $0xFFFF  }
0x48: {  	_ =	shalt  }

// kernel: kernel.20.cloned.1.call-start
scs
__scs_entry_jumppad:
0x0: {  	(pc) =	sbr.rel $0x88, $3  }
0x1: {  	(tag) =	ssettag $0x0;
	lr =	simm.s32 $0x1  }
0x2: {  	[smem:$0x3F9C] =	sst lr;
	_ =	strace $0xD0000000  }
0x3: {  	_ = 	snop  }
0x4: {  	_ = 	snop  }
0x5: {  	_ = 	snop  }
0x6: {  	_ = 	snop  }
0x7: {  	_ = 	snop  }
__scs_overlays_trampoline_lowered:
0x8: {  	[smem:$0x3FAB] =	sst s0  }
0x9: {  	[smem:$0x3FAC] =	sst s1  }
0xa: {  	[smem:$0x3FAD] =	sst s2  }
0xb: {  	[smem:$0x3FAE] =	sst s3  }
0xc: {  	[smem:$0x3FAF] =	sst s4  }
0xd: {  	[smem:$0x3FB0] =	sst s5  }
0xe: {  	[smem:$0x3FB1] =	sst s6  }
0xf: {  	[smem:$0x3FB2] =	sst s7  }
0x10: {  	[smem:$0x3FB3] =	sst s8  }
0x11: {  	[smem:$0x3FB4] =	sst s9;
	s0 =	simm.s32 @!p0 $0x0  }
0x12: {  	s1 =	sld [smem:$0x3F9A];
	s0 =	simm.s32 @p0 $0x1  }
0x13: {  	[smem:$0x3FB5] =	sst s0;
	s0 =	simm.s32 @!p1 $0x0  }
0x14: {  	s2 =	sld [smem:$0x3F99];
	s0 =	simm.s32 @p1 $0x1  }
0x15: {  	[smem:$0x3FB6] =	sst s0;
	s0 =	simm.s32 @!p2 $0x0  }
0x16: {  	s3 =	sld [smem:$0x3FDB];
	s0 =	simm.s32 @p2 $0x1  }
0x17: {  	s4 =	simm.s32 $0x1BF5;
	[smem:$0x3FB8] =	sst s0  }
0x18: {  	s0 =	sld [smem:$0x3F9B];
	_ =	swait.ge [sflag:s4], $0x0  }
0x19: {  	s7 =	sld [smem:$0x3F9C]  }
0x1a: {  	s8 =	sadd.s32 $0xFFFFE003, lr  }
0x1b: {  	s9 =	sadd.s32 $0xFFFFFEF7, lr;
	s5 =	simm.s32 $0xFFFFFFFF;
	p2 =	slt.u32 s8, $0xFFFFF086  }
0x1c: {  	p1 =	slt.u32 s9, $0xF7A;
	s5 =	simm.s32 @!p2 $0x0  }
0x1d: {  	s5 =	simm.s32 @p1 $0x1;
	p0 =	seq.s32 s7, s2  }
0x1e: {  	s7 =	smul.u32 @!p0 $0xF7A, s2;
	p2 =	seq.s32 @!p0 s5, $0x0  }
0x1f: {  	s9 =	smul.u32 $0xF7A, s1;
	s8 =	simm.s32 @!p0 $0x1BF5;
	p2 =	por !p2, p0  }
0x20: {  	[sflag:s8] =	ssyncset.s32 @!p0 $0xFFFFF086;
	s6 =	sadd.s32 @!p0 s3, s7;
	s7 =	simm.s32 @!p0 $0x108  }
0x21: {  	s3 =	sadd.s32 s3, s9;
	s6 =	sadd.s32 @!p0 $0x88, s6;
	s7 =	simm.s32 @p2 $0x1082  }
0x22: {  	[simem:s7], [sflag:s8] =	dma.local @!p0 [hbm:s6], $0xF7A  }
0x23: {  	s9 =	sor.u32 $0xD0000000, s2;
	s6 =	simm.s32 $0x108;
	_ =	swait.ge @!p0 [sflag:s8], $0x0  }
0x24: {  	s3 =	sadd.s32 $0x88, s3;
	s6 =	simm.s32 @!p1 $0x1082;
	[sflag:s4] =	ssyncset.s32 $0xFFFFF086  }
0x25: {  	[simem:s6], [sflag:s4] =	dma.local [hbm:s3], $0xF7A  }
0x26: {  	[smem:$0x3F9C] =	sst s1;
	(tag) =	ssettag s2;
	_ =	strace s9  }
0x27: {  	s1 =	sld [smem:$0x3FAC]  }
0x28: {  	s2 =	sld [smem:$0x3FAD]  }
0x29: {  	s4 =	sld [smem:$0x3FAF]  }
0x2a: {  	p0 =	seq.s32 s5, $0x0;
	s5 =	sld [smem:$0x3FB0]  }
0x2b: {  	s6 =	sld [smem:$0x3FB1]  }
0x2c: {  	s7 =	sld [smem:$0x3FB2]  }
0x2d: {  	s3 =	simm.s32 $0x108;
	s8 =	sld [smem:$0x3FB3]  }
0x2e: {  	s3 =	simm.s32 @!p0 $0x1082;
	s9 =	sld [smem:$0x3FB4]  }
0x2f: {  	lr =	sadd.s32 s0, s3;
	s0 =	sld [smem:$0x3FAB]  }
0x30: {  	s3 =	sld [smem:$0x3FAE]  }
0x31: {  	[smem:$0x3FB7] =	sst s10  }
0x32: {  	s10 =	sld [smem:$0x3FB5];
	_ =	sdelay $0x3  }
0x33: {  	p0 =	seq.s32 s10, $0x1;
	s10 =	sld [smem:$0x3FB7];
	_ =	sdelay $0x3  }
0x34: {  	[smem:$0x3FB7] =	sst s10  }
0x35: {  	s10 =	sld [smem:$0x3FB6];
	_ =	sdelay $0x3  }
0x36: {  	p1 =	seq.s32 s10, $0x1;
	s10 =	sld [smem:$0x3FB7];
	_ =	sdelay $0x3  }
0x37: {  	[smem:$0x3FB7] =	sst s10  }
0x38: {  	s10 =	sld [smem:$0x3FB8]  }
0x39: {  	_ = 	snop;
	(pc) =	sbr.ind lr, $3  }
0x3a: {  	_ = 	snop  }
0x3b: {  	_ = 	snop  }
0x3c: {  	p2 =	seq.s32 s10, $0x1;
	s10 =	sld [smem:$0x3FB7]  }
0x3d: {  	_ =	shalt  }
0x3e: {  	_ =	shalt  }
0x3f: {  	_ =	shalt  }
0x40: {  	_ =	shalt  }
0x41: {  	_ =	shalt  }
0x42: {  	_ =	shalt  }
0x43: {  	_ =	shalt  }
0x44: {  	_ =	shalt  }
0x45: {  	_ =	shalt  }
0x46: {  	_ =	shalt  }
0x47: {  	_ =	shalt  }
0x48: {  	_ =	shalt  }
0x49: {  	_ =	shalt  }
0x4a: {  	_ =	shalt  }
0x4b: {  	_ =	shalt  }
0x4c: {  	_ =	shalt  }
0x4d: {  	_ =	shalt  }
0x4e: {  	_ =	shalt  }
0x4f: {  	_ =	shalt  }
0x50: {  	_ =	shalt  }
0x51: {  	_ =	shalt  }
0x52: {  	_ =	shalt  }
0x53: {  	_ =	shalt  }
0x54: {  	_ =	shalt  }
0x55: {  	_ =	shalt  }
0x56: {  	_ =	shalt  }
0x57: {  	_ =	shalt  }
0x58: {  	_ =	shalt  }
0x59: {  	_ =	shalt  }
0x5a: {  	_ =	shalt  }
0x5b: {  	_ =	shalt  }
0x5c: {  	_ =	shalt  }
0x5d: {  	_ =	shalt  }
0x5e: {  	_ =	shalt  }
0x5f: {  	_ =	shalt  }
0x60: {  	_ =	shalt  }
0x61: {  	_ =	shalt  }
0x62: {  	_ =	shalt  }
0x63: {  	_ =	shalt  }
0x64: {  	_ =	shalt  }
0x65: {  	_ =	shalt  }
0x66: {  	_ =	shalt  }
0x67: {  	_ =	shalt  }
0x68: {  	_ =	shalt  }
0x69: {  	_ =	shalt  }
0x6a: {  	_ =	shalt  }
0x6b: {  	_ =	shalt  }
0x6c: {  	_ =	shalt  }
0x6d: {  	_ =	shalt  }
0x6e: {  	_ =	shalt  }
0x6f: {  	_ =	shalt  }
0x70: {  	_ =	shalt  }
0x71: {  	_ =	shalt  }
0x72: {  	_ =	shalt  }
0x73: {  	_ =	shalt  }
0x74: {  	_ =	shalt  }
0x75: {  	_ =	shalt  }
0x76: {  	_ =	shalt  }
0x77: {  	_ =	shalt  }
0x78: {  	_ =	shalt  }
0x79: {  	_ =	shalt  }
0x7a: {  	_ =	shalt  }
0x7b: {  	_ =	shalt  }
0x7c: {  	_ =	shalt  }
0x7d: {  	_ =	shalt  }
0x7e: {  	_ =	shalt  }
0x7f: {  	_ =	shalt  }
0x80: {  	_ =	shalt  }
0x81: {  	_ =	shalt  }
0x82: {  	_ =	shalt  }
0x83: {  	_ =	shalt  }
0x84: {  	_ =	shalt  }
0x85: {  	_ =	shalt  }
0x86: {  	_ =	shalt  }
0x87: {  	_ =	shalt  }
.Lfunc_end0:
.L_simem_size_0:
called_computation.2_lowered:
.L_overlay_start_0:
0x88: {  	s2 =	sld [smem:$0x3FD9]  }
0x89: {  	s3 =	sld [smem:$0x3FFE];
	_ =	sdelay $0x1  }
0x8a: {  	s1 =	srdreg.scid  }
0x8b: {  	s0 =	sand.u32 $0x1, s1  }
0x8c: {  	s17 =	sshll.u32 s0, $0xA;
	s2 =	sadd.s32 s3, s2  }
0x8d: {  	s2 =	sadd.s32 s2, s17  }
0x8e: {  	[smem:$0x3FC3] =	sst s2  }
0x8f: {  	_ = 	snop  }
0x90: {  	(tm) =	ssettm $0x1  }
0x91: {  	s18 =	sld [smem:$0x3FFB];
	_ =	sdelay $0x3  }
0x92: {  	_ =	strace s18  }
0x93: {  	s2 =	sld [smem:$0x3FFC];
	_ =	sdelay $0x3  }
0x94: {  	_ =	strace s2  }
0x95: {  	s2 =	sld [smem:$0x3FFD];
	_ =	sdelay $0x3  }
0x96: {  	_ =	strace s2  }
0x97: {  	_ =	strace $0x8FFFFFFF  }
0x98: {  	s19 =	sld [smem:$0x3FDB];
	_ =	sdelay $0x1  }
0x99: {  	s20 =	simm.s32 $_scs_section_size  }
0x9a: {  	s4 =	simm.s32 $_size__tile_overlayer_lowered;
	s5 =	simm.s32 $_tile_overlayer_lowered  }
0x9b: {  	s6 =	simm.s32 $0x1BFF;
	s21 =	sshll.u32 s5, $0x1;
	s3 =	sadd.s32 s20, s19  }
0x9c: {  	s22 =	simm.s32 $0x0;
	s4 =	sshll.u32 s4, $0x1;
	s5 =	sadd.s32 s21, s3  }
0x9d: {  	[timem:s22], [sflag:s6] =	dma.local [hbm:s5], s4  }
0x9e: {  	_ =	swait.ge [sflag:s6], s4  }
0x9f: {  	s4 =	ssub.s32 $0x0, s4;
	[sflag:s6] =	ssyncset.done $0x0  }
0xa0: {  	[sflag:s6] =	ssyncadd.s32 s4;
	_ =	sdelay $0x1  }
0xa1: {  	s23 =	simm.s32 $0x1B8B  }
0xa2: {  	_ =	swait.ge [sflag:s23], $0x1  }
0xa3: {  	[sflag:s23] =	ssyncset.done $0x0  }
0xa4: {  	[sflag:s23] =	ssyncadd.s32 $0xFFFFFFFF  }
0xa5: {  	s4 =	sld [smem:$0x0]  }
0xa6: {  	s5 =	sand.u32 $0xFFFFFFFE, s1  }
0xa7: {  	p0 =	sne.s32 s1, s5  }
0xa8: {  	s5 =	sshll.u32 @p0 s5, $0xE  }
0xa9: {  	s5 =	sadd.s32 @p0 $0x11B8D, s5;
	s6 =	sshll.u32 @p0 s4, $0x11  }
0xaa: {  	s5 =	sor.u32 @p0 s6, s5  }
0xab: {  	[sflag:s5] =	ssyncadd.remote.s32 @p0 $0x1;
	_ =	sdelay $0x1  }
0xac: {  	s5 =	simm.s32 @p0 $0x1B8D  }
0xad: {  	_ =	swait.eq @p0 [sflag:s5], $0x1  }
0xae: {  	[sflag:s5] =	ssyncadd.s32 @p0 $0xFFFFFFFF  }
0xaf: {  	s6 =	sshll.u32 @!p0 s1, $0xE  }
0xb0: {  	s6 =	sor.u32 @!p0 $0x4000, s6;
	s5 =	simm.s32 @!p0 $0x1B8D  }
0xb1: {  	s4 =	sshll.u32 @!p0 s4, $0x11;
	s6 =	sadd.s32 @!p0 $0x11B8D, s6;
	_ =	swait.eq @!p0 [sflag:s5], $0x1  }
0xb2: {  	s4 =	sor.u32 @!p0 s4, s6;
	[sflag:s5] =	ssyncadd.s32 @!p0 $0xFFFFFFFF  }
0xb3: {  	s25 =	simm.s32 $0x1B8E;
	s24 =	sld [smem:$0x3FFE];
	[sflag:s4] =	ssyncadd.remote.s32 @!p0 $0x1  }
0xb4: {  	s26 =	simm.s32 $execute0_lowered;
	[smem:$0x3FD2] =	sst s25  }
0xb5: {  	s5 =	sshll.u32 s26, $0x1;
	_ =	strace $0x80000049;
	[dreg:$0x1] =	wrdreg $0xFFFFFFFF  }
0xb6: {  	s28 =	simm.s32 $_size_execute0_lowered;
	s3 =	sadd.s32 s3, s5;
	[dreg:$0x0] =	wrdreg $0x0  }
0xb7: {  	s5 =	sshll.u32 s28, $0x1;
	[dreg:$0x2] =	wrdreg s3  }
0xb8: {  	[dreg:$0x3] =	wrdreg s5  }
0xb9: {  	[dreg:$0x4] =	wrdreg $0xC0  }
0xba: {  	_ =	task [dreg:s22], $0x5FFFF  }
0xbb: {  	[dreg:$0x1] =	wrdreg $0xFFFFFFFF  }
0xbc: {  	[dreg:$0x0] =	wrdreg $0x60  }
0xbd: {  	[dreg:$0x2] =	wrdreg s24  }
0xbe: {  	[dreg:$0x3] =	wrdreg $0xA  }
0xbf: {  	_ =	task.clear_ibuf [dreg:s22], $0x4FFFF;
	_ =	strace $0x90000049  }
0xc0: {  	s29 =	simm.s32 $0xA;
	_ =	strace $0x8000004B  }
0xc1: {  	_ =	swait.ge [sflag:s29], $0x1  }
0xc2: {  	[sflag:s29] =	ssyncadd.s32 $0xFFFFFFFF  }
0xc3: {  	_ =	strace $0x9000004B  }
0xc4: {  	_ =	sfence  }
0xc5: {  	s30 =	sld [smem:$0x0];
	_ =	sdelay $0x2  }
0xc6: {  	s31 =	sshll.u32 s1, $0xD;
	s1 =	sshrl.u32 s1, $0x2  }
0xc7: {  	s4 =	sand.u32 $0x4000, s31;
	s1 =	sadd.s32 s1, s30  }
0xc8: {  	s0 =	sor.u32 s4, s0;
	s1 =	sshll.u32 s1, $0x11  }
0xc9: {  	s0 =	sor.u32 s1, s0  }
0xca: {  	s0 =	sadd.s32 $0x8F2B, s0  }
0xcb: {  	[sflag:s0] =	ssyncadd.remote.s32 $0x1  }
0xcc: {  	_ =	sfence.sel $0xFFFF  }
0xcd: {  	[dreg:$0x0] =	wrdreg $0xFFFFFFFF;
	(pc) =	sbr.abs _section_cstart, $3  }
0xce: {  	[dreg:$0x1] =	wrdreg $0xFFFFFFFF  }
0xcf: {  	_ =	task.clear_ibuf [dreg:s22], $0x2FFFF;
	_ =	strace $0x9FFFFFFF  }
0xd0: {  	(tm) =	ssettm $0x7FFFFFFF  }
0xd1: {  	_ =	shalt  }
tec
execute0_lowered:
.L_overlay_start_1:
0x0: {  	(tag) =	ssettag $0x1  }
0x1: {  	s0 =	srdreg.scid  }
0x2: {  	s7 =	stileid.u32;
	s3 =	rddreg [dreg:$0x0]  }
0x3: {  	s2 =	simm.s32 $0x0;
	s13 =	simm.s32 $0x1400;
	s14 =	simm.s32 $0x1C00  }
0x4: {  	s15 =	simm.s32 $0x2400;
	s16 =	simm.s32 $0x2C00;
	[smem:$0x7FF] =	sst s2  }
0x5: {  	s17 =	simm.s32 $0x3400;
	_ =	strace $0x8000004A;
	[dreg:$0x4] =	wrdreg s13  }
0x6: {  	s18 =	simm.s32 $0x3C00;
	s19 =	simm.s32 $0x4400;
	[dreg:$0x5] =	wrdreg s14  }
0x7: {  	s21 =	simm.s32 $0x4C00;
	s22 =	simm.s32 $0x5400;
	[dreg:$0x6] =	wrdreg s15  }
0x8: {  	s23 =	simm.s32 $0x5C00;
	s24 =	simm.s32 $0x6400;
	[dreg:$0x7] =	wrdreg s16  }
0x9: {  	s25 =	simm.s32 $0x6C00;
	s26 =	simm.s32 $0x7400;
	[dreg:$0x8] =	wrdreg s17  }
0xa: {  	s8 =	simm.s32 $0x8C00;
	s28 =	simm.s32 $0x10400;
	[dreg:$0x9] =	wrdreg s18  }
0xb: {  	s29 =	simm.s32 $0x3;
	s30 =	simm.s32 $0x4;
	[dreg:$0xa] =	wrdreg s19  }
0xc: {  	s31 =	simm.s32 $0x0;
	s1 =	smul.u32 $0x180000, s7;
	[dreg:$0xb] =	wrdreg s21  }
0xd: {  	s0 =	sand.u32 $0x1, s0;
	s5 =	smul.u32 $0x30000, s7;
	[dreg:$0xc] =	wrdreg s22  }
0xe: {  	s6 =	sadd.s32 $0x9C4A00, s3;
	s10 =	sshll.u32 s7, $0x1;
	[dreg:$0xd] =	wrdreg s23  }
0xf: {  	s7 =	simm.s32 $0xC00;
	s4 =	smul.u32 $0xC0000, s0;
	[dreg:$0xe] =	wrdreg s24  }
0x10: {  	s9 =	smul.u32 $0x18000, s0;
	s12 =	sor.u32 s0, s10;
	[dreg:$0xf] =	wrdreg s25  }
0x11: {  	s0 =	ssub.s32 $0x2, s0;
	[dreg:$0x10] =	wrdreg s26;
	s10 =	simm.s32 $0x7C00  }
0x12: {  	s13 =	simm.s32 $0x9400;
	s14 =	simm.s32 $0x9C00;
	s15 =	simm.s32 $0xA400  }
0x13: {  	s16 =	simm.s32 $0xAC00;
	s17 =	simm.s32 $0xB400;
	s18 =	simm.s32 $0xBC00  }
0x14: {  	s19 =	simm.s32 $0xC400;
	s21 =	simm.s32 $0xD400;
	s22 =	simm.s32 $0xDC00  }
0x15: {  	s23 =	simm.s32 $0xE400;
	s24 =	simm.s32 $0xEC00;
	s25 =	simm.s32 $0xF400  }
0x16: {  	s26 =	simm.s32 $0xFC00;
	s5 =	sadd.s32 s5, s6;
	s20 =	sshrl.u32 s0, $0x1  }
0x17: {  	s1 =	sadd.s32 s4, s1;
	s4 =	sadd.s32 s9, s5;
	s0 =	ssub.s32 s0, s20  }
0x18: {  	s9 =	simm.s32 $0x1;
	s11 =	sadd.s32 $0x1000, s4;
	s4 =	smul.u32 $0xC00, s12  }
0x19: {  	s20 =	simm.s32 $0xCC00;
	s1 =	sshrl.u32 s1, $0x3;
	s0 =	smax.u32 s0, $0x1  }
0x1a: {  	s12 =	simm.s32 $0x2;
	[dreg:$0x3] =	wrdreg s11;
	s4 =	sshrl.u32 s4, $0x3  }
0x1b: {  	v2 =	vlaneseq.u32;
	s1 =	sadd.s32 s1, s6;
	[dreg:$0x12] =	wrdreg s0;
	s4 =	sadd.s32 s4, s3  }
0x1c: {  	vm0 =	vmmov $0xffff;
	v1 =	vshrl.u32 v2, $0x3;
	s6 =	simm.s32 $0x5;
	[dreg:$0x2] =	wrdreg s1;
	s4 =	sadd.s32 $0x307A00, s4  }
0x1d: {  	v0 =	vand.u32 $0x7, v2;
	v2 =	vor.u32 $0x8, v2;
	v1 =	vmul.u32 $0x8, v1;
	s11 =	simm.s32 $0x8400;
	s3 =	sadd.s32 $0x30AA00, s3;
	[dreg:$0x11] =	wrdreg s4  }
.LBB2_1:
0x1e: {  	s0 =	rddreg [dreg:$0x11]  }
0x1f: {  	[tilespmem:s2], [sflag:$0x5] =	stream.linear.gather [hbm4b:s0+s2], $0xC00, $0x38;
	[tilespmem:$0x10C00] =	vst v63  }
0x20: {  	_ =	swait.ge [sflag:s6], $0xC00  }
0x21: {  	[sflag:s6] =	ssyncset.done $0x0  }
0x22: {  	s1 =	simm.s32 $0x80;
	s0 =	simm.s32 $0x0;
	[sflag:s6] =	ssyncadd.s32 $0xFFFFF400  }
.LBB2_2:
0x23: {  	s4 =	rddreg [dreg:$0x2]  }
0x24: {  	s5 =	rddreg [dreg:$0x3];
	s4 =	sadd.s32 s0, s4  }
0x25: {  	[tilespmem:s7], [sflag:$0x1] =	stream.linear.gather [hbm4b:s4+s2], $0x8000, $0x38;
	[tilespmem:$0x10C00] =	vst v63  }
0x26: {  	s5 =	sadd.s32 s0, s5  }
0x27: {  	[tilespmem:s8], [sflag:$0x2] =	stream.linear.gather [hbm4b:s5+s2], $0x8000, $0x38;
	[tilespmem:$0x10C00] =	vst v63  }
0x28: {  	_ =	swait.ge [sflag:s9], $0x8000  }
0x29: {  	[sflag:s9] =	ssyncset.done $0x0  }
0x2a: {  	[sflag:s9] =	ssyncadd.s32 $0xFFFF8000  }
0x2b: {  	v3 =	vld [tilespmem:s1+$0xFFFFFF80];
	_ =	sdelay $0x4  }
0x2c: {  	v4 =	vshll.u32 v3, $0x1  }
0x2d: {  	v3 =	vand.u32 $0x7, v3;
	v4 =	vand.u32 $0xFFFFFFF0, v4  }
0x2e: {  	v3 =	vor.u32 v3, v4  }
0x2f: {  	v4 =	vperm.xlane v3, v0;
	_ =	sdelay $0x1  }
0x30: {  	v3 =	vperm.xlane v3, v2;
	v4 =	vadd.s32 v1, v4;
	_ =	sdelay $0x1  }
0x31: {  	v3 =	vadd.s32 v1, v3;
	_ =	sdelay $0x2  }
0x32: {  	[hbm4b:s3+s2] =	stream.indirect_vreg.scatter [tilespmem:s7], [sflag:$0x3], $0x80, v4, vm0, $0xb8;
	[tilespmem:$0x10C00] =	vst v63  }
0x33: {  	s5 =	rddreg [dreg:$0x4]  }
0x34: {  	[hbm4b:s3+s2] =	stream.indirect_vreg.scatter [tilespmem:s5], [sflag:$0x3], $0x80, v3, vm0, $0xb8;
	[tilespmem:$0x10C00] =	vst v63  }
0x35: {  	v3 =	vld [tilespmem:s1+$0xFFFFFF90];
	_ =	sdelay $0x4  }
0x36: {  	v49 =	vshll.u32 v3, $0x1  }
0x37: {  	v3 =	vand.u32 $0x7, v3;
	v4 =	vand.u32 $0xFFFFFFF0, v49  }
0x38: {  	v3 =	vor.u32 v3, v4  }
0x39: {  	v4 =	vperm.xlane v3, v0;
	_ =	sdelay $0x1  }
0x3a: {  	v3 =	vperm.xlane v3, v2;
	v4 =	vadd.s32 v1, v4;
	_ =	sdelay $0x1  }
0x3b: {  	v3 =	vadd.s32 v1, v3;
	_ =	sdelay $0x1  }
0x3c: {  	s4 =	rddreg [dreg:$0x5]  }
0x3d: {  	[hbm4b:s3+s2] =	stream.indirect_vreg.scatter [tilespmem:s4], [sflag:$0x3], $0x80, v4, vm0, $0xb8;
	[tilespmem:$0x10C00] =	vst v63  }
0x3e: {  	s5 =	rddreg [dreg:$0x6]  }
0x3f: {  	[hbm4b:s3+s2] =	stream.indirect_vreg.scatter [tilespmem:s5], [sflag:$0x3], $0x80, v3, vm0, $0xb8;
	[tilespmem:$0x10C00] =	vst v63  }
0x40: {  	v3 =	vld [tilespmem:s1+$0xFFFFFFA0];
	_ =	sdelay $0x4  }
0x41: {  	v50 =	vshll.u32 v3, $0x1  }
0x42: {  	v3 =	vand.u32 $0x7, v3;
	v4 =	vand.u32 $0xFFFFFFF0, v50  }
0x43: {  	v3 =	vor.u32 v3, v4  }
0x44: {  	v4 =	vperm.xlane v3, v0;
	_ =	sdelay $0x1  }
0x45: {  	v3 =	vperm.xlane v3, v2;
	v4 =	vadd.s32 v1, v4;
	_ =	sdelay $0x1  }
0x46: {  	v3 =	vadd.s32 v1, v3;
	_ =	sdelay $0x1  }
0x47: {  	s4 =	rddreg [dreg:$0x7]  }
0x48: {  	[hbm4b:s3+s2] =	stream.indirect_vreg.scatter [tilespmem:s4], [sflag:$0x3], $0x80, v4, vm0, $0xb8;
	[tilespmem:$0x10C00] =	vst v63  }
0x49: {  	s5 =	rddreg [dreg:$0x8]  }
0x4a: {  	[hbm4b:s3+s2] =	stream.indirect_vreg.scatter [tilespmem:s5], [sflag:$0x3], $0x80, v3, vm0, $0xb8;
	[tilespmem:$0x10C00] =	vst v63  }
0x4b: {  	v3 =	vld [tilespmem:s1+$0xFFFFFFB0];
	_ =	sdelay $0x4  }
0x4c: {  	v51 =	vshll.u32 v3, $0x1  }
0x4d: {  	v3 =	vand.u32 $0x7, v3;
	v4 =	vand.u32 $0xFFFFFFF0, v51  }
0x4e: {  	v3 =	vor.u32 v3, v4  }
0x4f: {  	v4 =	vperm.xlane v3, v0;
	_ =	sdelay $0x1  }
0x50: {  	v3 =	vperm.xlane v3, v2;
	v4 =	vadd.s32 v1, v4;
	_ =	sdelay $0x1  }
0x51: {  	v3 =	vadd.s32 v1, v3;
	_ =	sdelay $0x1  }
0x52: {  	s4 =	rddreg [dreg:$0x9]  }
0x53: {  	[hbm4b:s3+s2] =	stream.indirect_vreg.scatter [tilespmem:s4], [sflag:$0x3], $0x80, v4, vm0, $0xb8;
	[tilespmem:$0x10C00] =	vst v63  }
0x54: {  	s5 =	rddreg [dreg:$0xa]  }
0x55: {  	[hbm4b:s3+s2] =	stream.indirect_vreg.scatter [tilespmem:s5], [sflag:$0x3], $0x80, v3, vm0, $0xb8;
	[tilespmem:$0x10C00] =	vst v63  }
0x56: {  	v3 =	vld [tilespmem:s1+$0xFFFFFFC0];
	_ =	sdelay $0x4  }
0x57: {  	v52 =	vshll.u32 v3, $0x1  }
0x58: {  	v3 =	vand.u32 $0x7, v3;
	v4 =	vand.u32 $0xFFFFFFF0, v52  }
0x59: {  	v3 =	vor.u32 v3, v4  }
0x5a: {  	v4 =	vperm.xlane v3, v0;
	_ =	sdelay $0x1  }
0x5b: {  	v3 =	vperm.xlane v3, v2;
	v4 =	vadd.s32 v1, v4;
	_ =	sdelay $0x1  }
0x5c: {  	v3 =	vadd.s32 v1, v3;
	_ =	sdelay $0x1  }
0x5d: {  	s4 =	rddreg [dreg:$0xb]  }
0x5e: {  	[hbm4b:s3+s2] =	stream.indirect_vreg.scatter [tilespmem:s4], [sflag:$0x3], $0x80, v4, vm0, $0xb8;
	[tilespmem:$0x10C00] =	vst v63  }
0x5f: {  	s5 =	rddreg [dreg:$0xc]  }
0x60: {  	[hbm4b:s3+s2] =	stream.indirect_vreg.scatter [tilespmem:s5], [sflag:$0x3], $0x80, v3, vm0, $0xb8;
	[tilespmem:$0x10C00] =	vst v63  }
0x61: {  	v3 =	vld [tilespmem:s1+$0xFFFFFFD0];
	_ =	sdelay $0x4  }
0x62: {  	v53 =	vshll.u32 v3, $0x1  }
0x63: {  	v3 =	vand.u32 $0x7, v3;
	v4 =	vand.u32 $0xFFFFFFF0, v53  }
0x64: {  	v3 =	vor.u32 v3, v4  }
0x65: {  	v4 =	vperm.xlane v3, v0;
	_ =	sdelay $0x1  }
0x66: {  	v3 =	vperm.xlane v3, v2;
	v4 =	vadd.s32 v1, v4;
	_ =	sdelay $0x1  }
0x67: {  	v3 =	vadd.s32 v1, v3;
	_ =	sdelay $0x1  }
0x68: {  	s4 =	rddreg [dreg:$0xd]  }
0x69: {  	[hbm4b:s3+s2] =	stream.indirect_vreg.scatter [tilespmem:s4], [sflag:$0x3], $0x80, v4, vm0, $0xb8;
	[tilespmem:$0x10C00] =	vst v63  }
0x6a: {  	s5 =	rddreg [dreg:$0xe]  }
0x6b: {  	[hbm4b:s3+s2] =	stream.indirect_vreg.scatter [tilespmem:s5], [sflag:$0x3], $0x80, v3, vm0, $0xb8;
	[tilespmem:$0x10C00] =	vst v63  }
0x6c: {  	v3 =	vld [tilespmem:s1+$0xFFFFFFE0];
	_ =	sdelay $0x4  }
0x6d: {  	v54 =	vshll.u32 v3, $0x1  }
0x6e: {  	v3 =	vand.u32 $0x7, v3;
	v4 =	vand.u32 $0xFFFFFFF0, v54  }
0x6f: {  	v3 =	vor.u32 v3, v4  }
0x70: {  	v4 =	vperm.xlane v3, v0;
	_ =	sdelay $0x1  }
0x71: {  	v3 =	vperm.xlane v3, v2;
	v4 =	vadd.s32 v1, v4;
	_ =	sdelay $0x1  }
0x72: {  	v3 =	vadd.s32 v1, v3;
	_ =	sdelay $0x1  }
0x73: {  	s4 =	rddreg [dreg:$0xf]  }
0x74: {  	[hbm4b:s3+s2] =	stream.indirect_vreg.scatter [tilespmem:s4], [sflag:$0x3], $0x80, v4, vm0, $0xb8;
	[tilespmem:$0x10C00] =	vst v63  }
0x75: {  	s5 =	rddreg [dreg:$0x10]  }
0x76: {  	[hbm4b:s3+s2] =	stream.indirect_vreg.scatter [tilespmem:s5], [sflag:$0x3], $0x80, v3, vm0, $0xb8;
	[tilespmem:$0x10C00] =	vst v63  }
0x77: {  	v3 =	vld [tilespmem:s1+$0xFFFFFFF0];
	_ =	sdelay $0x4  }
0x78: {  	v55 =	vshll.u32 v3, $0x1  }
0x79: {  	v3 =	vand.u32 $0x7, v3;
	v4 =	vand.u32 $0xFFFFFFF0, v55  }
0x7a: {  	v3 =	vor.u32 v3, v4  }
0x7b: {  	v4 =	vperm.xlane v3, v0;
	_ =	sdelay $0x1  }
0x7c: {  	v3 =	vperm.xlane v3, v2;
	v4 =	vadd.s32 v1, v4;
	_ =	sdelay $0x1  }
0x7d: {  	v3 =	vadd.s32 v1, v3;
	_ =	sdelay $0x2  }
0x7e: {  	[hbm4b:s3+s2] =	stream.indirect_vreg.scatter [tilespmem:s10], [sflag:$0x3], $0x80, v4, vm0, $0xb8;
	[tilespmem:$0x10C00] =	vst v63  }
0x7f: {  	_ = 	snop  }
0x80: {  	[hbm4b:s3+s2] =	stream.indirect_vreg.scatter [tilespmem:s11], [sflag:$0x3], $0x80, v3, vm0, $0xb8;
	[tilespmem:$0x10C00] =	vst v63  }
0x81: {  	_ =	swait.ge [sflag:s12], $0x8000  }
0x82: {  	[sflag:s12] =	ssyncset.done $0x0  }
0x83: {  	[sflag:s12] =	ssyncadd.s32 $0xFFFF8000  }
0x84: {  	v3 =	vld [tilespmem:s1+$0x0];
	_ =	sdelay $0x4  }
0x85: {  	v56 =	vshll.u32 v3, $0x1  }
0x86: {  	v3 =	vand.u32 $0x7, v3;
	v4 =	vand.u32 $0xFFFFFFF0, v56  }
0x87: {  	v3 =	vor.u32 v3, v4  }
0x88: {  	v4 =	vperm.xlane v3, v0;
	_ =	sdelay $0x1  }
0x89: {  	v3 =	vperm.xlane v3, v2;
	v4 =	vadd.s32 v1, v4;
	_ =	sdelay $0x1  }
0x8a: {  	v3 =	vadd.s32 v1, v3;
	_ =	sdelay $0x2  }
0x8b: {  	[hbm4b:s3+s2] =	stream.indirect_vreg.scatter [tilespmem:s8], [sflag:$0x4], $0x80, v4, vm0, $0xb8;
	[tilespmem:$0x10C00] =	vst v63  }
0x8c: {  	_ = 	snop  }
0x8d: {  	[hbm4b:s3+s2] =	stream.indirect_vreg.scatter [tilespmem:s13], [sflag:$0x4], $0x80, v3, vm0, $0xb8;
	[tilespmem:$0x10C00] =	vst v63  }
0x8e: {  	v3 =	vld [tilespmem:s1+$0x10];
	_ =	sdelay $0x4  }
0x8f: {  	v57 =	vshll.u32 v3, $0x1  }
0x90: {  	v3 =	vand.u32 $0x7, v3;
	v4 =	vand.u32 $0xFFFFFFF0, v57  }
0x91: {  	v3 =	vor.u32 v3, v4  }
0x92: {  	v4 =	vperm.xlane v3, v0;
	_ =	sdelay $0x1  }
0x93: {  	v3 =	vperm.xlane v3, v2;
	v4 =	vadd.s32 v1, v4;
	_ =	sdelay $0x1  }
0x94: {  	v3 =	vadd.s32 v1, v3;
	_ =	sdelay $0x2  }
0x95: {  	[hbm4b:s3+s2] =	stream.indirect_vreg.scatter [tilespmem:s14], [sflag:$0x4], $0x80, v4, vm0, $0xb8;
	[tilespmem:$0x10C00] =	vst v63  }
0x96: {  	_ = 	snop  }
0x97: {  	[hbm4b:s3+s2] =	stream.indirect_vreg.scatter [tilespmem:s15], [sflag:$0x4], $0x80, v3, vm0, $0xb8;
	[tilespmem:$0x10C00] =	vst v63  }
0x98: {  	v3 =	vld [tilespmem:s1+$0x20];
	_ =	sdelay $0x4  }
0x99: {  	v58 =	vshll.u32 v3, $0x1  }
0x9a: {  	v3 =	vand.u32 $0x7, v3;
	v4 =	vand.u32 $0xFFFFFFF0, v58  }
0x9b: {  	v3 =	vor.u32 v3, v4  }
0x9c: {  	v4 =	vperm.xlane v3, v0;
	_ =	sdelay $0x1  }
0x9d: {  	v3 =	vperm.xlane v3, v2;
	v4 =	vadd.s32 v1, v4;
	_ =	sdelay $0x1  }
0x9e: {  	v3 =	vadd.s32 v1, v3;
	_ =	sdelay $0x2  }
0x9f: {  	[hbm4b:s3+s2] =	stream.indirect_vreg.scatter [tilespmem:s16], [sflag:$0x4], $0x80, v4, vm0, $0xb8;
	[tilespmem:$0x10C00] =	vst v63  }
0xa0: {  	_ = 	snop  }
0xa1: {  	[hbm4b:s3+s2] =	stream.indirect_vreg.scatter [tilespmem:s17], [sflag:$0x4], $0x80, v3, vm0, $0xb8;
	[tilespmem:$0x10C00] =	vst v63  }
0xa2: {  	v3 =	vld [tilespmem:s1+$0x30];
	_ =	sdelay $0x4  }
0xa3: {  	v59 =	vshll.u32 v3, $0x1  }
0xa4: {  	v3 =	vand.u32 $0x7, v3;
	v4 =	vand.u32 $0xFFFFFFF0, v59  }
0xa5: {  	v3 =	vor.u32 v3, v4  }
0xa6: {  	v4 =	vperm.xlane v3, v0;
	_ =	sdelay $0x1  }
0xa7: {  	v3 =	vperm.xlane v3, v2;
	v4 =	vadd.s32 v1, v4;
	_ =	sdelay $0x1  }
0xa8: {  	v3 =	vadd.s32 v1, v3;
	_ =	sdelay $0x2  }
0xa9: {  	[hbm4b:s3+s2] =	stream.indirect_vreg.scatter [tilespmem:s18], [sflag:$0x4], $0x80, v4, vm0, $0xb8;
	[tilespmem:$0x10C00] =	vst v63  }
0xaa: {  	_ = 	snop  }
0xab: {  	[hbm4b:s3+s2] =	stream.indirect_vreg.scatter [tilespmem:s19], [sflag:$0x4], $0x80, v3, vm0, $0xb8;
	[tilespmem:$0x10C00] =	vst v63  }
0xac: {  	v3 =	vld [tilespmem:s1+$0x40];
	_ =	sdelay $0x4  }
0xad: {  	v60 =	vshll.u32 v3, $0x1  }
0xae: {  	v3 =	vand.u32 $0x7, v3;
	v4 =	vand.u32 $0xFFFFFFF0, v60  }
0xaf: {  	v3 =	vor.u32 v3, v4  }
0xb0: {  	v4 =	vperm.xlane v3, v0;
	_ =	sdelay $0x1  }
0xb1: {  	v3 =	vperm.xlane v3, v2;
	v4 =	vadd.s32 v1, v4;
	_ =	sdelay $0x1  }
0xb2: {  	v3 =	vadd.s32 v1, v3;
	_ =	sdelay $0x2  }
0xb3: {  	[hbm4b:s3+s2] =	stream.indirect_vreg.scatter [tilespmem:s20], [sflag:$0x4], $0x80, v4, vm0, $0xb8;
	[tilespmem:$0x10C00] =	vst v63  }
0xb4: {  	_ = 	snop  }
0xb5: {  	[hbm4b:s3+s2] =	stream.indirect_vreg.scatter [tilespmem:s21], [sflag:$0x4], $0x80, v3, vm0, $0xb8;
	[tilespmem:$0x10C00] =	vst v63  }
0xb6: {  	v3 =	vld [tilespmem:s1+$0x50];
	_ =	sdelay $0x4  }
0xb7: {  	v61 =	vshll.u32 v3, $0x1  }
0xb8: {  	v3 =	vand.u32 $0x7, v3;
	v4 =	vand.u32 $0xFFFFFFF0, v61  }
0xb9: {  	v3 =	vor.u32 v3, v4  }
0xba: {  	v4 =	vperm.xlane v3, v0;
	_ =	sdelay $0x1  }
0xbb: {  	v3 =	vperm.xlane v3, v2;
	v4 =	vadd.s32 v1, v4;
	_ =	sdelay $0x1  }
0xbc: {  	v3 =	vadd.s32 v1, v3;
	_ =	sdelay $0x2  }
0xbd: {  	[hbm4b:s3+s2] =	stream.indirect_vreg.scatter [tilespmem:s22], [sflag:$0x4], $0x80, v4, vm0, $0xb8;
	[tilespmem:$0x10C00] =	vst v63  }
0xbe: {  	_ = 	snop  }
0xbf: {  	[hbm4b:s3+s2] =	stream.indirect_vreg.scatter [tilespmem:s23], [sflag:$0x4], $0x80, v3, vm0, $0xb8;
	[tilespmem:$0x10C00] =	vst v63  }
0xc0: {  	v3 =	vld [tilespmem:s1+$0x60];
	_ =	sdelay $0x4  }
0xc1: {  	v62 =	vshll.u32 v3, $0x1  }
0xc2: {  	v3 =	vand.u32 $0x7, v3;
	v4 =	vand.u32 $0xFFFFFFF0, v62  }
0xc3: {  	v3 =	vor.u32 v3, v4  }
0xc4: {  	v4 =	vperm.xlane v3, v0;
	_ =	sdelay $0x1  }
0xc5: {  	v3 =	vperm.xlane v3, v2;
	v4 =	vadd.s32 v1, v4;
	_ =	sdelay $0x1  }
0xc6: {  	v3 =	vadd.s32 v1, v3;
	_ =	sdelay $0x2  }
0xc7: {  	[hbm4b:s3+s2] =	stream.indirect_vreg.scatter [tilespmem:s24], [sflag:$0x4], $0x80, v4, vm0, $0xb8;
	[tilespmem:$0x10C00] =	vst v63  }
0xc8: {  	_ = 	snop  }
0xc9: {  	[hbm4b:s3+s2] =	stream.indirect_vreg.scatter [tilespmem:s25], [sflag:$0x4], $0x80, v3, vm0, $0xb8;
	[tilespmem:$0x10C00] =	vst v63  }
0xca: {  	v3 =	vld [tilespmem:s1+$0x70];
	_ =	sdelay $0x4  }
0xcb: {  	v63 =	vshll.u32 v3, $0x1  }
0xcc: {  	v3 =	vand.u32 $0x7, v3;
	v4 =	vand.u32 $0xFFFFFFF0, v63  }
0xcd: {  	v3 =	vor.u32 v3, v4  }
0xce: {  	v4 =	vperm.xlane v3, v0;
	_ =	sdelay $0x1  }
0xcf: {  	v3 =	vperm.xlane v3, v2;
	v4 =	vadd.s32 v1, v4;
	_ =	sdelay $0x1  }
0xd0: {  	v3 =	vadd.s32 v1, v3;
	_ =	sdelay $0x2  }
0xd1: {  	[hbm4b:s3+s2] =	stream.indirect_vreg.scatter [tilespmem:s26], [sflag:$0x4], $0x80, v4, vm0, $0xb8;
	[tilespmem:$0x10C00] =	vst v63  }
0xd2: {  	_ = 	snop  }
0xd3: {  	[hbm4b:s3+s2] =	stream.indirect_vreg.scatter [tilespmem:s28], [sflag:$0x4], $0x80, v3, vm0, $0xb8;
	[tilespmem:$0x10C00] =	vst v63  }
0xd4: {  	p0 =	sne.s32 s0, $0x16000;
	_ =	swait.ge [sflag:s29], $0x8000  }
.Ltmp0:
0xd5: {  	[sflag:s29] =	ssyncset.done $0x0;
	(pc) =	sbr.rel @p0 .LBB2_2-.Ltmp0, $4  }
0xd6: {  	[sflag:s29] =	ssyncadd.s32 $0xFFFF8000  }
0xd7: {  	_ =	swait.ge [sflag:s30], $0x8000  }
0xd8: {  	[sflag:s30] =	ssyncset.done $0x0  }
0xd9: {  	s0 =	sadd.s32 $0x2000, s0;
	s1 =	sadd.s32 $0x100, s1;
	[sflag:s30] =	ssyncadd.s32 $0xFFFF8000  }
0xda: {  	s31 =	sadd.s32 $0x1, s31;
	s0 =	rddreg [dreg:$0x12]  }
0xdb: {  	p0 =	sne.s32 s31, s0  }
.Ltmp1:
0xdc: {  	_ = 	snop;
	(pc) =	sbr.rel @p0 .LBB2_1-.Ltmp1, $1  }
0xdd: {  	_ =	sdelay $0x3  }
0xde: {  	_ =	sfence.sel $0x180000  }
0xdf: {  	[bflag:$0x0] =	sbarrier.arrive $0xFFFF  }
0xe0: {  	_ =	strace $0x9000004A  }
0xe1: {  	s0 =	stileid.u32;
	[bflag:$0x2] =	sbarrier.arrive $0xFFFF  }
0xe2: {  	p0 =	sne.s32 s0, $0x0;
	s0 =	rddreg [dreg:$0x1]  }
0xe3: {  	s0 =	sadd.s32 @!p0 $0x100000, s0  }
0xe4: {  	[sflag:s0] =	ssyncadd.tile.s32 @!p0 $0x1;
	_ =	shalt  }
.Lfunc_end2:
_tile_overlayer_lowered:
.L_overlay_start_2:
0xe5: {  	(tag) =	ssettag $0x2  }
0xe6: {  	s0 =	rddreg [dreg:$0x0];
	s2 =	stileid.u32  }
0xe7: {  	s1 =	rddreg [dreg:$0x1];
	p0 =	sne.s32 s2, $0x0  }
0xe8: {  	s3 =	rddreg [dreg:$0x2];
	[bflag:$0x3] =	sbarrier.arrive $0xFFFF;
	s2 =	simm.s32 @!p0 $0x1C05  }
0xe9: {  	[timem:s3], [sflag:s2] =	dma.local @!p0 [hbm:s0], s1  }
0xea: {  	s0 =	simm.s32 @!p0 $0x5  }
0xeb: {  	_ =	swait.ge @!p0 [sflag:s0], s1  }
0xec: {  	s1 =	ssub.s32 @!p0 $0x0, s1;
	[sflag:s0] =	ssyncset.done @!p0 $0x0  }
0xed: {  	[sflag:s0] =	ssyncadd.s32 @!p0 s1  }
0xee: {  	[bflag:$0x3] =	sbarrier.arrive $0xFFFF  }
0xef: {  	_ =	shalt  }

// kernel: kernel.23.cloned.1.call-start
scs
__scs_entry_jumppad:
0x0: {  	(pc) =	sbr.rel $0x88, $3  }
0x1: {  	(tag) =	ssettag $0x0;
	lr =	simm.s32 $0x1  }
0x2: {  	[smem:$0x3F9C] =	sst lr;
	_ =	strace $0xD0000000  }
0x3: {  	_ = 	snop  }
0x4: {  	_ = 	snop  }
0x5: {  	_ = 	snop  }
0x6: {  	_ = 	snop  }
0x7: {  	_ = 	snop  }
__scs_overlays_trampoline_lowered:
0x8: {  	[smem:$0x3FAB] =	sst s0  }
0x9: {  	[smem:$0x3FAC] =	sst s1  }
0xa: {  	[smem:$0x3FAD] =	sst s2  }
0xb: {  	[smem:$0x3FAE] =	sst s3  }
0xc: {  	[smem:$0x3FAF] =	sst s4  }
0xd: {  	[smem:$0x3FB0] =	sst s5  }
0xe: {  	[smem:$0x3FB1] =	sst s6  }
0xf: {  	[smem:$0x3FB2] =	sst s7  }
0x10: {  	[smem:$0x3FB3] =	sst s8  }
0x11: {  	[smem:$0x3FB4] =	sst s9;
	s0 =	simm.s32 @!p0 $0x0  }
0x12: {  	s1 =	sld [smem:$0x3F9A];
	s0 =	simm.s32 @p0 $0x1  }
0x13: {  	[smem:$0x3FB5] =	sst s0;
	s0 =	simm.s32 @!p1 $0x0  }
0x14: {  	s2 =	sld [smem:$0x3F99];
	s0 =	simm.s32 @p1 $0x1  }
0x15: {  	[smem:$0x3FB6] =	sst s0;
	s0 =	simm.s32 @!p2 $0x0  }
0x16: {  	s3 =	sld [smem:$0x3FDB];
	s0 =	simm.s32 @p2 $0x1  }
0x17: {  	s4 =	simm.s32 $0x1BF5;
	[smem:$0x3FB8] =	sst s0  }
0x18: {  	s0 =	sld [smem:$0x3F9B];
	_ =	swait.ge [sflag:s4], $0x0  }
0x19: {  	s7 =	sld [smem:$0x3F9C]  }
0x1a: {  	s8 =	sadd.s32 $0xFFFFE003, lr  }
0x1b: {  	s9 =	sadd.s32 $0xFFFFFEF7, lr;
	s5 =	simm.s32 $0xFFFFFFFF;
	p2 =	slt.u32 s8, $0xFFFFF086  }
0x1c: {  	p1 =	slt.u32 s9, $0xF7A;
	s5 =	simm.s32 @!p2 $0x0  }
0x1d: {  	s5 =	simm.s32 @p1 $0x1;
	p0 =	seq.s32 s7, s2  }
0x1e: {  	s7 =	smul.u32 @!p0 $0xF7A, s2;
	p2 =	seq.s32 @!p0 s5, $0x0  }
0x1f: {  	s9 =	smul.u32 $0xF7A, s1;
	s8 =	simm.s32 @!p0 $0x1BF5;
	p2 =	por !p2, p0  }
0x20: {  	[sflag:s8] =	ssyncset.s32 @!p0 $0xFFFFF086;
	s6 =	sadd.s32 @!p0 s3, s7;
	s7 =	simm.s32 @!p0 $0x108  }
0x21: {  	s3 =	sadd.s32 s3, s9;
	s6 =	sadd.s32 @!p0 $0x88, s6;
	s7 =	simm.s32 @p2 $0x1082  }
0x22: {  	[simem:s7], [sflag:s8] =	dma.local @!p0 [hbm:s6], $0xF7A  }
0x23: {  	s9 =	sor.u32 $0xD0000000, s2;
	s6 =	simm.s32 $0x108;
	_ =	swait.ge @!p0 [sflag:s8], $0x0  }
0x24: {  	s3 =	sadd.s32 $0x88, s3;
	s6 =	simm.s32 @!p1 $0x1082;
	[sflag:s4] =	ssyncset.s32 $0xFFFFF086  }
0x25: {  	[simem:s6], [sflag:s4] =	dma.local [hbm:s3], $0xF7A  }
0x26: {  	[smem:$0x3F9C] =	sst s1;
	(tag) =	ssettag s2;
	_ =	strace s9  }
0x27: {  	s1 =	sld [smem:$0x3FAC]  }
0x28: {  	s2 =	sld [smem:$0x3FAD]  }
0x29: {  	s4 =	sld [smem:$0x3FAF]  }
0x2a: {  	p0 =	seq.s32 s5, $0x0;
	s5 =	sld [smem:$0x3FB0]  }
0x2b: {  	s6 =	sld [smem:$0x3FB1]  }
0x2c: {  	s7 =	sld [smem:$0x3FB2]  }
0x2d: {  	s3 =	simm.s32 $0x108;
	s8 =	sld [smem:$0x3FB3]  }
0x2e: {  	s3 =	simm.s32 @!p0 $0x1082;
	s9 =	sld [smem:$0x3FB4]  }
0x2f: {  	lr =	sadd.s32 s0, s3;
	s0 =	sld [smem:$0x3FAB]  }
0x30: {  	s3 =	sld [smem:$0x3FAE]  }
0x31: {  	[smem:$0x3FB7] =	sst s10  }
0x32: {  	s10 =	sld [smem:$0x3FB5];
	_ =	sdelay $0x3  }
0x33: {  	p0 =	seq.s32 s10, $0x1;
	s10 =	sld [smem:$0x3FB7];
	_ =	sdelay $0x3  }
0x34: {  	[smem:$0x3FB7] =	sst s10  }
0x35: {  	s10 =	sld [smem:$0x3FB6];
	_ =	sdelay $0x3  }
0x36: {  	p1 =	seq.s32 s10, $0x1;
	s10 =	sld [smem:$0x3FB7];
	_ =	sdelay $0x3  }
0x37: {  	[smem:$0x3FB7] =	sst s10  }
0x38: {  	s10 =	sld [smem:$0x3FB8]  }
0x39: {  	_ = 	snop;
	(pc) =	sbr.ind lr, $3  }
0x3a: {  	_ = 	snop  }
0x3b: {  	_ = 	snop  }
0x3c: {  	p2 =	seq.s32 s10, $0x1;
	s10 =	sld [smem:$0x3FB7]  }
0x3d: {  	_ =	shalt  }
0x3e: {  	_ =	shalt  }
0x3f: {  	_ =	shalt  }
0x40: {  	_ =	shalt  }
0x41: {  	_ =	shalt  }
0x42: {  	_ =	shalt  }
0x43: {  	_ =	shalt  }
0x44: {  	_ =	shalt  }
0x45: {  	_ =	shalt  }
0x46: {  	_ =	shalt  }
0x47: {  	_ =	shalt  }
0x48: {  	_ =	shalt  }
0x49: {  	_ =	shalt  }
0x4a: {  	_ =	shalt  }
0x4b: {  	_ =	shalt  }
0x4c: {  	_ =	shalt  }
0x4d: {  	_ =	shalt  }
0x4e: {  	_ =	shalt  }
0x4f: {  	_ =	shalt  }
0x50: {  	_ =	shalt  }
0x51: {  	_ =	shalt  }
0x52: {  	_ =	shalt  }
0x53: {  	_ =	shalt  }
0x54: {  	_ =	shalt  }
0x55: {  	_ =	shalt  }
0x56: {  	_ =	shalt  }
0x57: {  	_ =	shalt  }
0x58: {  	_ =	shalt  }
0x59: {  	_ =	shalt  }
0x5a: {  	_ =	shalt  }
0x5b: {  	_ =	shalt  }
0x5c: {  	_ =	shalt  }
0x5d: {  	_ =	shalt  }
0x5e: {  	_ =	shalt  }
0x5f: {  	_ =	shalt  }
0x60: {  	_ =	shalt  }
0x61: {  	_ =	shalt  }
0x62: {  	_ =	shalt  }
0x63: {  	_ =	shalt  }
0x64: {  	_ =	shalt  }
0x65: {  	_ =	shalt  }
0x66: {  	_ =	shalt  }
0x67: {  	_ =	shalt  }
0x68: {  	_ =	shalt  }
0x69: {  	_ =	shalt  }
0x6a: {  	_ =	shalt  }
0x6b: {  	_ =	shalt  }
0x6c: {  	_ =	shalt  }
0x6d: {  	_ =	shalt  }
0x6e: {  	_ =	shalt  }
0x6f: {  	_ =	shalt  }
0x70: {  	_ =	shalt  }
0x71: {  	_ =	shalt  }
0x72: {  	_ =	shalt  }
0x73: {  	_ =	shalt  }
0x74: {  	_ =	shalt  }
0x75: {  	_ =	shalt  }
0x76: {  	_ =	shalt  }
0x77: {  	_ =	shalt  }
0x78: {  	_ =	shalt  }
0x79: {  	_ =	shalt  }
0x7a: {  	_ =	shalt  }
0x7b: {  	_ =	shalt  }
0x7c: {  	_ =	shalt  }
0x7d: {  	_ =	shalt  }
0x7e: {  	_ =	shalt  }
0x7f: {  	_ =	shalt  }
0x80: {  	_ =	shalt  }
0x81: {  	_ =	shalt  }
0x82: {  	_ =	shalt  }
0x83: {  	_ =	shalt  }
0x84: {  	_ =	shalt  }
0x85: {  	_ =	shalt  }
0x86: {  	_ =	shalt  }
0x87: {  	_ =	shalt  }
.Lfunc_end0:
.L_simem_size_0:
called_computation.3_lowered:
.L_overlay_start_0:
0x88: {  	s2 =	sld [smem:$0x3FD9]  }
0x89: {  	s3 =	sld [smem:$0x3FFE];
	_ =	sdelay $0x1  }
0x8a: {  	s1 =	srdreg.scid  }
0x8b: {  	s0 =	sand.u32 $0x1, s1  }
0x8c: {  	s17 =	sshll.u32 s0, $0xA;
	s2 =	sadd.s32 s3, s2  }
0x8d: {  	s2 =	sadd.s32 s2, s17  }
0x8e: {  	[smem:$0x3FC3] =	sst s2  }
0x8f: {  	_ = 	snop  }
0x90: {  	s18 =	sld [smem:$0x3FD0];
	(tm) =	ssettm $0x1  }
0x91: {  	s19 =	sld [smem:$0x3FFB];
	_ =	sdelay $0x3  }
0x92: {  	_ =	strace s19  }
0x93: {  	s2 =	sld [smem:$0x3FFC];
	_ =	sdelay $0x3  }
0x94: {  	_ =	strace s2  }
0x95: {  	s2 =	sld [smem:$0x3FFD];
	_ =	sdelay $0x3  }
0x96: {  	_ =	strace s2  }
0x97: {  	_ =	strace $0x8FFFFFFF  }
0x98: {  	s20 =	sld [smem:$0x3FDB];
	_ =	sdelay $0x1  }
0x99: {  	s4 =	simm.s32 $_scs_section_size  }
0x9a: {  	s5 =	simm.s32 $_size__tile_overlayer_lowered;
	s6 =	simm.s32 $_tile_overlayer_lowered  }
0x9b: {  	s7 =	simm.s32 $0x1BFF;
	s21 =	sshll.u32 s6, $0x1;
	s4 =	sadd.s32 s4, s20  }
0x9c: {  	s22 =	simm.s32 $0x0;
	s5 =	sshll.u32 s5, $0x1;
	s6 =	sadd.s32 s21, s4  }
0x9d: {  	[timem:s22], [sflag:s7] =	dma.local [hbm:s6], s5  }
0x9e: {  	_ =	swait.ge [sflag:s7], s5  }
0x9f: {  	s5 =	ssub.s32 $0x0, s5;
	[sflag:s7] =	ssyncset.done $0x0  }
0xa0: {  	[sflag:s7] =	ssyncadd.s32 s5;
	_ =	sdelay $0x1  }
0xa1: {  	s23 =	simm.s32 $0x1B8B  }
0xa2: {  	_ =	swait.ge [sflag:s23], $0x1  }
0xa3: {  	[sflag:s23] =	ssyncset.done $0x0  }
0xa4: {  	[sflag:s23] =	ssyncadd.s32 $0xFFFFFFFF  }
0xa5: {  	s5 =	sld [smem:$0x0]  }
0xa6: {  	s6 =	sand.u32 $0xFFFFFFFE, s1  }
0xa7: {  	p0 =	sne.s32 s1, s6  }
0xa8: {  	s6 =	sshll.u32 @p0 s6, $0xE  }
0xa9: {  	s6 =	sadd.s32 @p0 $0x11B8D, s6;
	s7 =	sshll.u32 @p0 s5, $0x11  }
0xaa: {  	s6 =	sor.u32 @p0 s7, s6  }
0xab: {  	[sflag:s6] =	ssyncadd.remote.s32 @p0 $0x1;
	_ =	sdelay $0x1  }
0xac: {  	s6 =	simm.s32 @p0 $0x1B8D  }
0xad: {  	_ =	swait.eq @p0 [sflag:s6], $0x1  }
0xae: {  	[sflag:s6] =	ssyncadd.s32 @p0 $0xFFFFFFFF  }
0xaf: {  	s7 =	sshll.u32 @!p0 s1, $0xE  }
0xb0: {  	s7 =	sor.u32 @!p0 $0x4000, s7;
	s6 =	simm.s32 @!p0 $0x1B8D  }
0xb1: {  	s5 =	sshll.u32 @!p0 s5, $0x11;
	s7 =	sadd.s32 @!p0 $0x11B8D, s7;
	_ =	swait.eq @!p0 [sflag:s6], $0x1  }
0xb2: {  	s5 =	sor.u32 @!p0 s5, s7;
	[sflag:s6] =	ssyncadd.s32 @!p0 $0xFFFFFFFF  }
0xb3: {  	s25 =	simm.s32 $0x1B8E;
	s24 =	sld [smem:$0x3FFE];
	[sflag:s5] =	ssyncadd.remote.s32 @!p0 $0x1  }
0xb4: {  	s26 =	simm.s32 $execute0_lowered;
	[smem:$0x3FD2] =	sst s25  }
0xb5: {  	s6 =	sshll.u32 s26, $0x1;
	_ =	strace $0x8000004F;
	[dreg:$0x1] =	wrdreg $0xFFFFFFFF  }
0xb6: {  	s28 =	simm.s32 $_size_execute0_lowered;
	s4 =	sadd.s32 s4, s6;
	[dreg:$0x0] =	wrdreg $0x0  }
0xb7: {  	s6 =	sshll.u32 s28, $0x1;
	[dreg:$0x2] =	wrdreg s4  }
0xb8: {  	[dreg:$0x3] =	wrdreg s6  }
0xb9: {  	[dreg:$0x4] =	wrdreg $0xC0  }
0xba: {  	_ =	task [dreg:s22], $0x5FFFF  }
0xbb: {  	[dreg:$0x1] =	wrdreg $0xFFFFFFFF  }
0xbc: {  	[dreg:$0x0] =	wrdreg $0x60  }
0xbd: {  	[dreg:$0x2] =	wrdreg s18  }
0xbe: {  	[dreg:$0x3] =	wrdreg s24  }
0xbf: {  	[dreg:$0x4] =	wrdreg $0xA  }
0xc0: {  	_ =	task.clear_ibuf [dreg:s22], $0x5FFFF;
	_ =	strace $0x9000004F  }
0xc1: {  	s29 =	simm.s32 $0xA;
	_ =	strace $0x80000051  }
0xc2: {  	_ =	swait.ge [sflag:s29], $0x1  }
0xc3: {  	[sflag:s29] =	ssyncadd.s32 $0xFFFFFFFF  }
0xc4: {  	_ =	strace $0x90000051  }
0xc5: {  	_ =	sfence  }
0xc6: {  	s30 =	sld [smem:$0x0];
	_ =	sdelay $0x2  }
0xc7: {  	s31 =	sshll.u32 s1, $0xD;
	s1 =	sshrl.u32 s1, $0x2  }
0xc8: {  	s4 =	sand.u32 $0x4000, s31;
	s1 =	sadd.s32 s1, s30  }
0xc9: {  	s0 =	sor.u32 s4, s0;
	s1 =	sshll.u32 s1, $0x11  }
0xca: {  	s0 =	sor.u32 s1, s0  }
0xcb: {  	s0 =	sadd.s32 $0x8F2B, s0  }
0xcc: {  	[sflag:s0] =	ssyncadd.remote.s32 $0x1  }
0xcd: {  	_ =	sfence.sel $0xFFFF  }
0xce: {  	[dreg:$0x0] =	wrdreg $0xFFFFFFFF;
	(pc) =	sbr.abs _section_cstart, $3  }
0xcf: {  	[dreg:$0x1] =	wrdreg $0xFFFFFFFF  }
0xd0: {  	_ =	task.clear_ibuf [dreg:s22], $0x2FFFF;
	_ =	strace $0x9FFFFFFF  }
0xd1: {  	(tm) =	ssettm $0x7FFFFFFF  }
tec
execute0_lowered:
.L_overlay_start_1:
0x0: {  	(tag) =	ssettag $0x1  }
0x1: {  	s1 =	srdreg.scid  }
0x2: {  	s0 =	stileid.u32;
	s2 =	rddreg [dreg:$0x0]  }
0x3: {  	s5 =	rddreg [dreg:$0x1];
	s3 =	simm.s32 $0x0;
	s13 =	simm.s32 $0x2  }
0x4: {  	s14 =	simm.s32 $0x3;
	s15 =	simm.s32 $0x4;
	s16 =	simm.s32 $0x0  }
0x5: {  	s4 =	sand.u32 $0x1, s1;
	s1 =	rddreg [dreg:$0x2];
	s7 =	smul.u32 $0xC0000, s0  }
0x6: {  	s26 =	sshll.u32 s0, $0x1;
	[smem:$0x7FF] =	sst s3;
	s10 =	smul.u32 $0x18000, s0  }
0x7: {  	s11 =	sadd.s32 $0x7A00, s5;
	s6 =	sor.u32 s4, s26;
	s8 =	smul.u32 $0x60000, s4  }
0x8: {  	_ =	strace $0x80000050;
	s9 =	ssub.s32 $0x2, s4;
	s12 =	smul.u32 $0xC000, s4  }
0x9: {  	s6 =	smul.u32 $0xC00, s6;
	s28 =	sshrl.u32 s9, $0x1;
	s29 =	sadd.s32 s10, s11  }
0xa: {  	s10 =	simm.s32 $0xC00;
	s7 =	sadd.s32 s8, s7;
	s31 =	sadd.s32 s12, s29  }
0xb: {  	s8 =	simm.s32 $0x5;
	s12 =	simm.s32 $0x1;
	s6 =	sshrl.u32 s6, $0x3  }
0xc: {  	s30 =	sshrl.u32 s7, $0x3;
	s7 =	sadd.s32 $0x800, s31;
	s6 =	sadd.s32 s6, s5  }
0xd: {  	s5 =	ssub.s32 s9, s28;
	s9 =	simm.s32 $0x80;
	s4 =	sadd.s32 $0x307A00, s6  }
0xe: {  	s5 =	smax.u32 s5, $0x1;
	s6 =	sadd.s32 s30, s11;
	s11 =	simm.s32 $0x4C00  }
.LBB2_1:
0xf: {  	[tilespmem:s3], [sflag:$0x5] =	stream.linear.gather [hbm4b:s4+s3], $0xC00, $0x38;
	[tilespmem:$0x8C00] =	vst v63  }
0x10: {  	_ =	swait.ge [sflag:s8], $0xC00  }
0x11: {  	[sflag:s8] =	ssyncset.done $0x0  }
0x12: {  	[sflag:s8] =	ssyncadd.s32 $0xFFFFF400  }
0x13: {  	[tilespmem:s10], [sflag:$0x1] =	stream.indirect.gather [hbm4b:s2+s9], $0x80, s3, s9, $0xb8;
	[tilespmem:$0x8C00] =	vst v63  }
0x14: {  	s17 =	simm.s32 $0x80  }
0x15: {  	[tilespmem:s11], [sflag:$0x2] =	stream.indirect.gather [hbm4b:s2+s9], $0x80, s17, s9, $0xb8;
	[tilespmem:$0x8C00] =	vst v63  }
0x16: {  	_ =	swait.ge [sflag:s12], $0x4000  }
0x17: {  	[sflag:s12] =	ssyncset.done $0x0  }
0x18: {  	s30 =	sadd.s32 $0x0, s6;
	[sflag:s12] =	ssyncadd.s32 $0xFFFFC000  }
0x19: {  	[hbm4b:s30+s3] =	stream.linear.scatter [tilespmem:s10], [sflag:$0x3], $0x4000, $0x38;
	[tilespmem:$0x8C00] =	vst v63  }
0x1a: {  	_ =	swait.ge [sflag:s13], $0x4000  }
0x1b: {  	[sflag:s13] =	ssyncset.done $0x0  }
0x1c: {  	s31 =	sadd.s32 $0x0, s7;
	[sflag:s13] =	ssyncadd.s32 $0xFFFFC000  }
0x1d: {  	[hbm4b:s31+s3] =	stream.linear.scatter [tilespmem:s11], [sflag:$0x4], $0x4000, $0x38;
	[tilespmem:$0x8C00] =	vst v63  }
0x1e: {  	_ =	swait.ge [sflag:s14], $0x4000  }
0x1f: {  	[sflag:s14] =	ssyncset.done $0x0  }
0x20: {  	[sflag:s14] =	ssyncadd.s32 $0xFFFFC000  }
0x21: {  	_ =	swait.ge [sflag:s15], $0x4000  }
0x22: {  	s18 =	simm.s32 $0x0;
	s17 =	simm.s32 $0x1000;
	[sflag:s15] =	ssyncset.done $0x0  }
.LBB2_2:
0x23: {  	p0 =	sne.s32 s17, $0xB000;
	[sflag:s15] =	ssyncadd.s32 $0xFFFFC000;
	s18 =	sadd.s32 $0x100, s18  }
0x24: {  	[tilespmem:s10], [sflag:$0x1] =	stream.indirect.gather [hbm4b:s2+s9], $0x80, s18, s9, $0xb8;
	[tilespmem:$0x8C00] =	vst v63  }
0x25: {  	s20 =	smov.u32 s17;
	s17 =	sadd.s32 $0x1000, s17;
	s19 =	sadd.s32 $0x80, s18  }
0x26: {  	[tilespmem:s11], [sflag:$0x2] =	stream.indirect.gather [hbm4b:s2+s9], $0x80, s19, s9, $0xb8;
	[tilespmem:$0x8C00] =	vst v63  }
0x27: {  	_ =	swait.ge [sflag:s12], $0x4000  }
0x28: {  	[sflag:s12] =	ssyncset.done $0x0  }
0x29: {  	s19 =	sadd.s32 s20, s6;
	[sflag:s12] =	ssyncadd.s32 $0xFFFFC000  }
0x2a: {  	[hbm4b:s19+s3] =	stream.linear.scatter [tilespmem:s10], [sflag:$0x3], $0x4000, $0x38;
	[tilespmem:$0x8C00] =	vst v63  }
0x2b: {  	_ =	swait.ge [sflag:s13], $0x4000  }
0x2c: {  	[sflag:s13] =	ssyncset.done $0x0  }
0x2d: {  	s19 =	sadd.s32 s20, s7;
	[sflag:s13] =	ssyncadd.s32 $0xFFFFC000  }
0x2e: {  	[hbm4b:s19+s3] =	stream.linear.scatter [tilespmem:s11], [sflag:$0x4], $0x4000, $0x38;
	[tilespmem:$0x8C00] =	vst v63  }
.Ltmp0:
0x2f: {  	_ =	swait.ge [sflag:s14], $0x4000;
	(pc) =	sbr.rel @p0 .LBB2_2-.Ltmp0, $4  }
0x30: {  	[sflag:s14] =	ssyncset.done $0x0  }
0x31: {  	[sflag:s14] =	ssyncadd.s32 $0xFFFFC000  }
0x32: {  	_ =	swait.ge [sflag:s15], $0x4000  }
0x33: {  	[sflag:s15] =	ssyncset.done $0x0  }
0x34: {  	s16 =	sadd.s32 $0x1, s16  }
0x35: {  	p0 =	sne.s32 s16, s5  }
.Ltmp1:
0x36: {  	_ = 	snop;
	(pc) =	sbr.rel @p0 .LBB2_1-.Ltmp1, $2  }
0x37: {  	_ =	sdelay $0x2  }
0x38: {  	[sflag:s15] =	ssyncadd.s32 $0xFFFFC000  }
0x39: {  	_ =	sfence.sel $0x180000  }
0x3a: {  	[bflag:$0x0] =	sbarrier.arrive $0xFFFF  }
0x3b: {  	p0 =	sne.s32 s0, $0x0;
	_ =	strace $0x90000050  }
0x3c: {  	s0 =	sadd.s32 @!p0 $0x100000, s1;
	[bflag:$0x2] =	sbarrier.arrive $0xFFFF  }
0x3d: {  	[sflag:s0] =	ssyncadd.tile.s32 @!p0 $0x1;
	_ =	shalt  }
.Lfunc_end2:
_tile_overlayer_lowered:
.L_overlay_start_2:
0x3e: {  	(tag) =	ssettag $0x2  }
0x3f: {  	s0 =	rddreg [dreg:$0x0];
	s2 =	stileid.u32  }
0x40: {  	s1 =	rddreg [dreg:$0x1];
	p0 =	sne.s32 s2, $0x0  }
0x41: {  	s3 =	rddreg [dreg:$0x2];
	[bflag:$0x3] =	sbarrier.arrive $0xFFFF;
	s2 =	simm.s32 @!p0 $0x1C05  }
0x42: {  	[timem:s3], [sflag:s2] =	dma.local @!p0 [hbm:s0], s1  }
0x43: {  	s0 =	simm.s32 @!p0 $0x5  }
0x44: {  	_ =	swait.ge @!p0 [sflag:s0], s1  }
0x45: {  	s1 =	ssub.s32 @!p0 $0x0, s1;
	[sflag:s0] =	ssyncset.done @!p0 $0x0  }
0x46: {  	[sflag:s0] =	ssyncadd.s32 @!p0 s1  }
0x47: {  	[bflag:$0x3] =	sbarrier.arrive $0xFFFF  }
0x48: {  	_ =	shalt  }

</sc_bundles>
